<compile_context>
chip_gen: v7x
topology: tpu7x:2x2x1
jax: 0.10.2.dev20260603
libtpu: 0.0.44.dev20260713+nightly
codegen_flags: <defaults>
</compile_context>

<pallas_src>
import functools

import jax
import jax.numpy as jnp
from jax import lax
from jax.experimental import pallas as pl
from jax.experimental.pallas import tpu as pltpu
from jax.experimental.pallas import tpu_sc as plsc

N_NODES = 10000
N_EDGES = 320000
IN_FEAT = 128
OUT_FEAT = 128

NUM_CORES = 2
NUM_SUBCORES = 16
NW = NUM_CORES * NUM_SUBCORES
E_PER_TILE = N_EDGES // NW
CHUNK = 80
N_CHUNKS = E_PER_TILE // CHUNK
ACC_ROWS = 10240
ROWS_PER_TILE = ACC_ROWS // NUM_SUBCORES
ZROWS = 128

MM_BLK = 1000


def _matmul_body(x_ref, w_ref, o_ref):
    o_ref[...] = jnp.dot(x_ref[...], w_ref[...],
                         preferred_element_type=jnp.float32)


def _add_body(a_ref, b_ref, o_ref):
    o_ref[...] = a_ref[...] + b_ref[...]


def _sc_body(h_hbm, src_hbm, dst_hbm, ew_hbm, out_hbm,
             acc, src_v, dst_v, ew_v, rows_v, zbuf_v, sem):
    cid = lax.axis_index("c")
    sid = lax.axis_index("s")
    wid = cid * NUM_SUBCORES + sid

    zeros16 = jnp.zeros((16,), jnp.float32)

    def _zrow(r, carry):
        for j in range(8):
            zbuf_v[r, pl.ds(j * 16, 16)] = zeros16
        return carry

    lax.fori_loop(0, ZROWS, _zrow, 0)
    row0 = sid * ROWS_PER_TILE
    for t in range(ROWS_PER_TILE // ZROWS):
        pltpu.sync_copy(zbuf_v, acc.at[pl.ds(row0 + t * ZROWS, ZROWS)])
    plsc.subcore_barrier()

    ebase = wid * E_PER_TILE

    def _chunk(k, carry):
        off = ebase + k * CHUNK
        pltpu.sync_copy(src_hbm.at[pl.ds(off, CHUNK)], src_v)
        pltpu.sync_copy(dst_hbm.at[pl.ds(off, CHUNK)], dst_v)
        pltpu.sync_copy(ew_hbm.at[pl.ds(off, CHUNK)], ew_v)
        pltpu.async_copy(h_hbm.at[src_v], rows_v, sem).wait()

        def _scale(e, c2):
            wvec = plsc.load_gather(ew_v, [jnp.full((16,), e, jnp.int32)])
            for j in range(8):
                rows_v[e, pl.ds(j * 16, 16)] = (
                    rows_v[e, pl.ds(j * 16, 16)] * wvec)
            return c2

        lax.fori_loop(0, CHUNK, _scale, 0)
        pltpu.sync_copy(rows_v, acc.at[dst_v], add=True)
        return carry

    lax.fori_loop(0, N_CHUNKS, _chunk, 0)
    plsc.subcore_barrier()

    for t in range(ROWS_PER_TILE // ZROWS):
        r = row0 + t * ZROWS
        pltpu.sync_copy(acc.at[pl.ds(r, ZROWS)], zbuf_v)
        pltpu.sync_copy(zbuf_v, out_hbm.at[cid, pl.ds(r, ZROWS)])


_sc_scatter = functools.partial(
    pl.kernel,
    mesh=plsc.VectorSubcoreMesh(core_axis_name="c", subcore_axis_name="s"),
    compiler_params=pltpu.CompilerParams(needs_layout_passes=False),
    out_type=jax.ShapeDtypeStruct((NUM_CORES, ACC_ROWS, OUT_FEAT), jnp.float32),
    scratch_types=[
        pltpu.VMEM_SHARED((ACC_ROWS, OUT_FEAT), jnp.float32),
        pltpu.VMEM((CHUNK,), jnp.int32),
        pltpu.VMEM((CHUNK,), jnp.int32),
        pltpu.VMEM((CHUNK,), jnp.float32),
        pltpu.VMEM((CHUNK, OUT_FEAT), jnp.float32),
        pltpu.VMEM((ZROWS, OUT_FEAT), jnp.float32),
        pltpu.SemaphoreType.DMA,
    ],
)(_sc_body)


def kernel(feat, edge_index, edge_weight, W):
    src = edge_index[1].astype(jnp.int32)
    dst = edge_index[0].astype(jnp.int32)
    ew = edge_weight.astype(jnp.float32)

    n_blocks = N_NODES // MM_BLK
    h = pl.pallas_call(
        _matmul_body,
        grid=(n_blocks,),
        in_specs=[
            pl.BlockSpec((MM_BLK, IN_FEAT), lambda i: (i, 0)),
            pl.BlockSpec((IN_FEAT, OUT_FEAT), lambda i: (0, 0)),
        ],
        out_specs=pl.BlockSpec((MM_BLK, OUT_FEAT), lambda i: (i, 0)),
        out_shape=jax.ShapeDtypeStruct((N_NODES, OUT_FEAT), jnp.float32),
    )(feat, W)

    partials = _sc_scatter(h, src, dst, ew)

    out = pl.pallas_call(
        _add_body,
        grid=(n_blocks,),
        in_specs=[
            pl.BlockSpec((MM_BLK, OUT_FEAT), lambda i: (i, 0)),
            pl.BlockSpec((MM_BLK, OUT_FEAT), lambda i: (i, 0)),
        ],
        out_specs=pl.BlockSpec((MM_BLK, OUT_FEAT), lambda i: (i, 0)),
        out_shape=jax.ShapeDtypeStruct((N_NODES, OUT_FEAT), jnp.float32),
    )(partials[0, :N_NODES], partials[1, :N_NODES])
    return out

# --- scband reference (transcript-rebuilt; emitter-appended) ---
"""Pipeline reference for scband-cell-embedding-58076547776778 (READ-ONLY COPY).

The authoritative reference and input builder live on the scoring server;
editing this copy changes nothing except your own understanding.
"""

import jax, jax.numpy as jnp
import numpy as np

N_NODES = 10000
N_EDGES = 320000
IN_FEAT = 128
OUT_FEAT = 128

def setup_inputs(seed: int = 0) -> dict:
    key = jax.random.key(seed)
    k1, k2, k3, k4 = jax.random.split(key, 4)
    feat = jax.random.normal(k1, (N_NODES, IN_FEAT), dtype=jnp.float32)
    edge_index = jax.random.randint(k2, (2, N_EDGES), 0, N_NODES, dtype=jnp.int64)
    edge_weight = jax.random.uniform(k3, (N_EDGES,), dtype=jnp.float32)
    # Xavier-uniform init of weight [in_feat, out_feat]
    limit = float(np.sqrt(6.0 / (IN_FEAT + OUT_FEAT)))
    W = jax.random.uniform(k4, (IN_FEAT, OUT_FEAT), dtype=jnp.float32, minval=-limit, maxval=limit)
    return {"feat": feat, "edge_index": edge_index, "edge_weight": edge_weight, "W": W}

def reference(feat, edge_index, edge_weight, W):
    # torch.spmm(adj, torch.mm(feat, self.weight))
    # adj is a sparse [N, N] matrix given in COO form: adj[dst, src] = edge_weight
    h = jnp.dot(feat, W)                      # [N, out_feat]
    src = edge_index[1]                       # column index of adj (source node)
    dst = edge_index[0]                       # row index of adj (destination node)
    msgs = h[src] * edge_weight[:, None]      # gather + scale, [E, out_feat]
    out = jax.ops.segment_sum(msgs, dst, num_segments=feat.shape[0])  # scatter-add
    return out

if __name__ == "__main__":
    import jax
    _d = setup_inputs()
    print(jax.jit(kernel)(*tuple(_d.values())))

</pallas_src>

<mosaic_0001>
#map = affine_map<(d0, d1) -> (0, 0)>
#map1 = affine_map<(d0, d1) -> (0)>
#map2 = affine_map<(d0, d1) -> (0, 0, 0)>
module attributes {stable_mosaic.version = 14 : i64} {
  func.func @_sc_body(%arg0: i32, %arg1: i32, %arg2: memref<10000x128xf32, #tpu.memory_space<hbm>>, %arg3: memref<320000xi32, #tpu.memory_space<hbm>>, %arg4: memref<320000xi32, #tpu.memory_space<hbm>>, %arg5: memref<320000xf32, #tpu.memory_space<hbm>>, %arg6: memref<2x10240x128xf32, #tpu.memory_space<hbm>>, %arg7: memref<10240x128xf32, #tpu.memory_space<vmem_shared>>, %arg8: memref<80xi32, #tpu.memory_space<vmem>>, %arg9: memref<80xi32, #tpu.memory_space<vmem>>, %arg10: memref<80xf32, #tpu.memory_space<vmem>>, %arg11: memref<80x128xf32, #tpu.memory_space<vmem>>, %arg12: memref<128x128xf32, #tpu.memory_space<vmem>>, %arg13: memref<!tpu.dma_semaphore, #tpu.memory_space<semaphore_mem>>) attributes {dimension_semantics = [#tpu.dimension_semantics<core_parallel>, #tpu.dimension_semantics<subcore_parallel>], iteration_bounds = array<i64: 2, 16>, scalar_prefetch = 0 : i64, scratch_operands = 7 : i64, tpu.core_type = #tpu.core_type<sc_vector_subcore>, window_params = [{transform_indices = #map}, {transform_indices = #map1}, {transform_indices = #map1}, {transform_indices = #map1}, {transform_indices = #map2}]} {
    %mul3A = arith.constant 16 : i32
    %mul3A_0 = arith.muli %arg0, %mul3A : i32
    %add3A = arith.addi %mul3A_0, %arg1 : i32
    %broadcast_in_dim3A = arith.constant 0.000000e+00 : f32
    %broadcast_in_dim3A_1 = vector.broadcast %broadcast_in_dim3A : f32 to vector<16xf32>
    %scan3A = arith.constant 0 : i32
    %scan3A_2 = arith.constant 0 : i32
    %scan3A_3 = arith.constant 128 : i32
    %scan3A_4 = arith.addi %scan3A_2, %scan3A_3 : i32
    %scan3A_5 = arith.constant 1 : i32
    scf.for %scan3A_38 = %scan3A_2 to %scan3A_4 step %scan3A_5  : i32 {
      %swap3A = arith.index_cast %scan3A_38 : i32 to index
      %swap3A_39 = arith.constant 0 : index
      %swap3A_40 = tpu.vector_load %arg12[%swap3A, %swap3A_39] {strides = array<i32>} : memref<128x128xf32, #tpu.memory_space<vmem>>, vector<16xf32>,
      tpu.vector_store %arg12[%swap3A, %swap3A_39], %broadcast_in_dim3A_1 {strides = array<i32>} : memref<128x128xf32, #tpu.memory_space<vmem>>, vector<16xf32>,
      %swap3A_41 = arith.index_cast %scan3A_38 : i32 to index
      %swap3A_42 = arith.constant 16 : index
      %swap3A_43 = tpu.vector_load %arg12[%swap3A_41, %swap3A_42] {strides = array<i32>} : memref<128x128xf32, #tpu.memory_space<vmem>>, vector<16xf32>,
      tpu.vector_store %arg12[%swap3A_41, %swap3A_42], %broadcast_in_dim3A_1 {strides = array<i32>} : memref<128x128xf32, #tpu.memory_space<vmem>>, vector<16xf32>,
      %swap3A_44 = arith.index_cast %scan3A_38 : i32 to index
      %swap3A_45 = arith.constant 32 : index
      %swap3A_46 = tpu.vector_load %arg12[%swap3A_44, %swap3A_45] {strides = array<i32>} : memref<128x128xf32, #tpu.memory_space<vmem>>, vector<16xf32>,
      tpu.vector_store %arg12[%swap3A_44, %swap3A_45], %broadcast_in_dim3A_1 {strides = array<i32>} : memref<128x128xf32, #tpu.memory_space<vmem>>, vector<16xf32>,
      %swap3A_47 = arith.index_cast %scan3A_38 : i32 to index
      %swap3A_48 = arith.constant 48 : index
      %swap3A_49 = tpu.vector_load %arg12[%swap3A_47, %swap3A_48] {strides = array<i32>} : memref<128x128xf32, #tpu.memory_space<vmem>>, vector<16xf32>,
      tpu.vector_store %arg12[%swap3A_47, %swap3A_48], %broadcast_in_dim3A_1 {strides = array<i32>} : memref<128x128xf32, #tpu.memory_space<vmem>>, vector<16xf32>,
      %swap3A_50 = arith.index_cast %scan3A_38 : i32 to index
      %swap3A_51 = arith.constant 64 : index
      %swap3A_52 = tpu.vector_load %arg12[%swap3A_50, %swap3A_51] {strides = array<i32>} : memref<128x128xf32, #tpu.memory_space<vmem>>, vector<16xf32>,
      tpu.vector_store %arg12[%swap3A_50, %swap3A_51], %broadcast_in_dim3A_1 {strides = array<i32>} : memref<128x128xf32, #tpu.memory_space<vmem>>, vector<16xf32>,
      %swap3A_53 = arith.index_cast %scan3A_38 : i32 to index
      %swap3A_54 = arith.constant 80 : index
      %swap3A_55 = tpu.vector_load %arg12[%swap3A_53, %swap3A_54] {strides = array<i32>} : memref<128x128xf32, #tpu.memory_space<vmem>>, vector<16xf32>,
      tpu.vector_store %arg12[%swap3A_53, %swap3A_54], %broadcast_in_dim3A_1 {strides = array<i32>} : memref<128x128xf32, #tpu.memory_space<vmem>>, vector<16xf32>,
      %swap3A_56 = arith.index_cast %scan3A_38 : i32 to index
      %swap3A_57 = arith.constant 96 : index
      %swap3A_58 = tpu.vector_load %arg12[%swap3A_56, %swap3A_57] {strides = array<i32>} : memref<128x128xf32, #tpu.memory_space<vmem>>, vector<16xf32>,
      tpu.vector_store %arg12[%swap3A_56, %swap3A_57], %broadcast_in_dim3A_1 {strides = array<i32>} : memref<128x128xf32, #tpu.memory_space<vmem>>, vector<16xf32>,
      %swap3A_59 = arith.index_cast %scan3A_38 : i32 to index
      %swap3A_60 = arith.constant 112 : index
      %swap3A_61 = tpu.vector_load %arg12[%swap3A_59, %swap3A_60] {strides = array<i32>} : memref<128x128xf32, #tpu.memory_space<vmem>>, vector<16xf32>,
      tpu.vector_store %arg12[%swap3A_59, %swap3A_60], %broadcast_in_dim3A_1 {strides = array<i32>} : memref<128x128xf32, #tpu.memory_space<vmem>>, vector<16xf32>,
    }
    %scan3A_6 = arith.constant 128 : i32
    %mul3A_7 = arith.constant 640 : i32
    %mul3A_8 = arith.muli %arg1, %mul3A_7 : i32
    %add3A_9 = arith.constant 0 : i32
    %add3A_10 = arith.addi %mul3A_8, %add3A_9 : i32
    "tpu.region"() ({
      %run_scoped3A = tpu.sem_alloc : memref<!tpu.dma_semaphore, #tpu.memory_space<semaphore_mem>>
      %dma_start3A = arith.constant 0 : i32
      %dma_start3A_38 = tpu.memref_slice %arg7[%add3A_10, %dma_start3A] : memref<10240x128xf32, #tpu.memory_space<vmem_shared>> -> memref<128x128xf32, #tpu.memory_space<vmem_shared>>
      %dma_start3A_39 = arith.constant 0 : i32
      %dma_start3A_40 = tpu.memref_slice %arg7[%add3A_10, %dma_start3A_39] : memref<10240x128xf32, #tpu.memory_space<vmem_shared>> -> memref<128x128xf32, #tpu.memory_space<vmem_shared>>
      tpu.enqueue_dma source(%arg12 : memref<128x128xf32, #tpu.memory_space<vmem>>) target(%dma_start3A_40 : memref<128x128xf32, #tpu.memory_space<vmem_shared>>) target_semaphore(%run_scoped3A : memref<!tpu.dma_semaphore, #tpu.memory_space<semaphore_mem>>)
      %dma_wait3A = arith.constant 0 : i32
      %dma_wait3A_41 = tpu.memref_slice %arg7[%add3A_10, %dma_wait3A] : memref<10240x128xf32, #tpu.memory_space<vmem_shared>> -> memref<128x128xf32, #tpu.memory_space<vmem_shared>>
      %dma_wait3A_42 = arith.constant 0 : i32
      %dma_wait3A_43 = tpu.memref_slice %arg7[%add3A_10, %dma_wait3A_42] : memref<10240x128xf32, #tpu.memory_space<vmem_shared>> -> memref<128x128xf32, #tpu.memory_space<vmem_shared>>
      tpu.wait_dma2 semaphore(%run_scoped3A : memref<!tpu.dma_semaphore, #tpu.memory_space<semaphore_mem>>) src(%arg12 : memref<128x128xf32, #tpu.memory_space<vmem>>) dst(%dma_wait3A_43 : memref<128x128xf32, #tpu.memory_space<vmem_shared>>)
      tpu.yield
    }) : () -> ()
    %add3A_11 = arith.constant 128 : i32
    %add3A_12 = arith.addi %mul3A_8, %add3A_11 : i32
    "tpu.region"() ({
      %run_scoped3A = tpu.sem_alloc : memref<!tpu.dma_semaphore, #tpu.memory_space<semaphore_mem>>
      %dma_start3A = arith.constant 0 : i32
      %dma_start3A_38 = tpu.memref_slice %arg7[%add3A_12, %dma_start3A] : memref<10240x128xf32, #tpu.memory_space<vmem_shared>> -> memref<128x128xf32, #tpu.memory_space<vmem_shared>>
      %dma_start3A_39 = arith.constant 0 : i32
      %dma_start3A_40 = tpu.memref_slice %arg7[%add3A_12, %dma_start3A_39] : memref<10240x128xf32, #tpu.memory_space<vmem_shared>> -> memref<128x128xf32, #tpu.memory_space<vmem_shared>>
      tpu.enqueue_dma source(%arg12 : memref<128x128xf32, #tpu.memory_space<vmem>>) target(%dma_start3A_40 : memref<128x128xf32, #tpu.memory_space<vmem_shared>>) target_semaphore(%run_scoped3A : memref<!tpu.dma_semaphore, #tpu.memory_space<semaphore_mem>>)
      %dma_wait3A = arith.constant 0 : i32
      %dma_wait3A_41 = tpu.memref_slice %arg7[%add3A_12, %dma_wait3A] : memref<10240x128xf32, #tpu.memory_space<vmem_shared>> -> memref<128x128xf32, #tpu.memory_space<vmem_shared>>
      %dma_wait3A_42 = arith.constant 0 : i32
      %dma_wait3A_43 = tpu.memref_slice %arg7[%add3A_12, %dma_wait3A_42] : memref<10240x128xf32, #tpu.memory_space<vmem_shared>> -> memref<128x128xf32, #tpu.memory_space<vmem_shared>>
      tpu.wait_dma2 semaphore(%run_scoped3A : memref<!tpu.dma_semaphore, #tpu.memory_space<semaphore_mem>>) src(%arg12 : memref<128x128xf32, #tpu.memory_space<vmem>>) dst(%dma_wait3A_43 : memref<128x128xf32, #tpu.memory_space<vmem_shared>>)
      tpu.yield
    }) : () -> ()
    %add3A_13 = arith.constant 256 : i32
    %add3A_14 = arith.addi %mul3A_8, %add3A_13 : i32
    "tpu.region"() ({
      %run_scoped3A = tpu.sem_alloc : memref<!tpu.dma_semaphore, #tpu.memory_space<semaphore_mem>>
      %dma_start3A = arith.constant 0 : i32
      %dma_start3A_38 = tpu.memref_slice %arg7[%add3A_14, %dma_start3A] : memref<10240x128xf32, #tpu.memory_space<vmem_shared>> -> memref<128x128xf32, #tpu.memory_space<vmem_shared>>
      %dma_start3A_39 = arith.constant 0 : i32
      %dma_start3A_40 = tpu.memref_slice %arg7[%add3A_14, %dma_start3A_39] : memref<10240x128xf32, #tpu.memory_space<vmem_shared>> -> memref<128x128xf32, #tpu.memory_space<vmem_shared>>
      tpu.enqueue_dma source(%arg12 : memref<128x128xf32, #tpu.memory_space<vmem>>) target(%dma_start3A_40 : memref<128x128xf32, #tpu.memory_space<vmem_shared>>) target_semaphore(%run_scoped3A : memref<!tpu.dma_semaphore, #tpu.memory_space<semaphore_mem>>)
      %dma_wait3A = arith.constant 0 : i32
      %dma_wait3A_41 = tpu.memref_slice %arg7[%add3A_14, %dma_wait3A] : memref<10240x128xf32, #tpu.memory_space<vmem_shared>> -> memref<128x128xf32, #tpu.memory_space<vmem_shared>>
      %dma_wait3A_42 = arith.constant 0 : i32
      %dma_wait3A_43 = tpu.memref_slice %arg7[%add3A_14, %dma_wait3A_42] : memref<10240x128xf32, #tpu.memory_space<vmem_shared>> -> memref<128x128xf32, #tpu.memory_space<vmem_shared>>
      tpu.wait_dma2 semaphore(%run_scoped3A : memref<!tpu.dma_semaphore, #tpu.memory_space<semaphore_mem>>) src(%arg12 : memref<128x128xf32, #tpu.memory_space<vmem>>) dst(%dma_wait3A_43 : memref<128x128xf32, #tpu.memory_space<vmem_shared>>)
      tpu.yield
    }) : () -> ()
    %add3A_15 = arith.constant 384 : i32
    %add3A_16 = arith.addi %mul3A_8, %add3A_15 : i32
    "tpu.region"() ({
      %run_scoped3A = tpu.sem_alloc : memref<!tpu.dma_semaphore, #tpu.memory_space<semaphore_mem>>
      %dma_start3A = arith.constant 0 : i32
      %dma_start3A_38 = tpu.memref_slice %arg7[%add3A_16, %dma_start3A] : memref<10240x128xf32, #tpu.memory_space<vmem_shared>> -> memref<128x128xf32, #tpu.memory_space<vmem_shared>>
      %dma_start3A_39 = arith.constant 0 : i32
      %dma_start3A_40 = tpu.memref_slice %arg7[%add3A_16, %dma_start3A_39] : memref<10240x128xf32, #tpu.memory_space<vmem_shared>> -> memref<128x128xf32, #tpu.memory_space<vmem_shared>>
      tpu.enqueue_dma source(%arg12 : memref<128x128xf32, #tpu.memory_space<vmem>>) target(%dma_start3A_40 : memref<128x128xf32, #tpu.memory_space<vmem_shared>>) target_semaphore(%run_scoped3A : memref<!tpu.dma_semaphore, #tpu.memory_space<semaphore_mem>>)
      %dma_wait3A = arith.constant 0 : i32
      %dma_wait3A_41 = tpu.memref_slice %arg7[%add3A_16, %dma_wait3A] : memref<10240x128xf32, #tpu.memory_space<vmem_shared>> -> memref<128x128xf32, #tpu.memory_space<vmem_shared>>
      %dma_wait3A_42 = arith.constant 0 : i32
      %dma_wait3A_43 = tpu.memref_slice %arg7[%add3A_16, %dma_wait3A_42] : memref<10240x128xf32, #tpu.memory_space<vmem_shared>> -> memref<128x128xf32, #tpu.memory_space<vmem_shared>>
      tpu.wait_dma2 semaphore(%run_scoped3A : memref<!tpu.dma_semaphore, #tpu.memory_space<semaphore_mem>>) src(%arg12 : memref<128x128xf32, #tpu.memory_space<vmem>>) dst(%dma_wait3A_43 : memref<128x128xf32, #tpu.memory_space<vmem_shared>>)
      tpu.yield
    }) : () -> ()
    %add3A_17 = arith.constant 512 : i32
    %add3A_18 = arith.addi %mul3A_8, %add3A_17 : i32
    "tpu.region"() ({
      %run_scoped3A = tpu.sem_alloc : memref<!tpu.dma_semaphore, #tpu.memory_space<semaphore_mem>>
      %dma_start3A = arith.constant 0 : i32
      %dma_start3A_38 = tpu.memref_slice %arg7[%add3A_18, %dma_start3A] : memref<10240x128xf32, #tpu.memory_space<vmem_shared>> -> memref<128x128xf32, #tpu.memory_space<vmem_shared>>
      %dma_start3A_39 = arith.constant 0 : i32
      %dma_start3A_40 = tpu.memref_slice %arg7[%add3A_18, %dma_start3A_39] : memref<10240x128xf32, #tpu.memory_space<vmem_shared>> -> memref<128x128xf32, #tpu.memory_space<vmem_shared>>
      tpu.enqueue_dma source(%arg12 : memref<128x128xf32, #tpu.memory_space<vmem>>) target(%dma_start3A_40 : memref<128x128xf32, #tpu.memory_space<vmem_shared>>) target_semaphore(%run_scoped3A : memref<!tpu.dma_semaphore, #tpu.memory_space<semaphore_mem>>)
      %dma_wait3A = arith.constant 0 : i32
      %dma_wait3A_41 = tpu.memref_slice %arg7[%add3A_18, %dma_wait3A] : memref<10240x128xf32, #tpu.memory_space<vmem_shared>> -> memref<128x128xf32, #tpu.memory_space<vmem_shared>>
      %dma_wait3A_42 = arith.constant 0 : i32
      %dma_wait3A_43 = tpu.memref_slice %arg7[%add3A_18, %dma_wait3A_42] : memref<10240x128xf32, #tpu.memory_space<vmem_shared>> -> memref<128x128xf32, #tpu.memory_space<vmem_shared>>
      tpu.wait_dma2 semaphore(%run_scoped3A : memref<!tpu.dma_semaphore, #tpu.memory_space<semaphore_mem>>) src(%arg12 : memref<128x128xf32, #tpu.memory_space<vmem>>) dst(%dma_wait3A_43 : memref<128x128xf32, #tpu.memory_space<vmem_shared>>)
      tpu.yield
    }) : () -> ()
    %barrier3A = arith.constant 0 : index
    tpu.barrier barrier_id(%barrier3A)
    %mul3A_19 = arith.constant 10000 : i32
    %mul3A_20 = arith.muli %add3A, %mul3A_19 : i32
    %scan3A_21 = arith.constant 0 : i32
    %scan3A_22 = arith.constant 0 : i32
    %scan3A_23 = arith.constant 125 : i32
    %scan3A_24 = arith.addi %scan3A_22, %scan3A_23 : i32
    %scan3A_25 = arith.constant 1 : i32
    scf.for %scan3A_38 = %scan3A_22 to %scan3A_24 step %scan3A_25  : i32 {
      %mul3A_39 = arith.constant 80 : i32
      %mul3A_40 = arith.muli %scan3A_38, %mul3A_39 : i32
      %add3A_41 = arith.addi %mul3A_20, %mul3A_40 : i32
      "tpu.region"() ({
        %run_scoped3A = tpu.sem_alloc : memref<!tpu.dma_semaphore, #tpu.memory_space<semaphore_mem>>
        %dma_start3A_52 = tpu.memref_slice %arg3[%add3A_41] : memref<320000xi32, #tpu.memory_space<hbm>> -> memref<80xi32, #tpu.memory_space<hbm>>
        %dma_start3A_53 = tpu.memref_slice %arg3[%add3A_41] : memref<320000xi32, #tpu.memory_space<hbm>> -> memref<80xi32, #tpu.memory_space<hbm>>
        tpu.enqueue_dma source(%dma_start3A_53 : memref<80xi32, #tpu.memory_space<hbm>>) target(%arg8 : memref<80xi32, #tpu.memory_space<vmem>>) target_semaphore(%run_scoped3A : memref<!tpu.dma_semaphore, #tpu.memory_space<semaphore_mem>>)
        %dma_wait3A_54 = tpu.memref_slice %arg3[%add3A_41] : memref<320000xi32, #tpu.memory_space<hbm>> -> memref<80xi32, #tpu.memory_space<hbm>>
        %dma_wait3A_55 = tpu.memref_slice %arg3[%add3A_41] : memref<320000xi32, #tpu.memory_space<hbm>> -> memref<80xi32, #tpu.memory_space<hbm>>
        tpu.wait_dma2 semaphore(%run_scoped3A : memref<!tpu.dma_semaphore, #tpu.memory_space<semaphore_mem>>) src(%dma_wait3A_55 : memref<80xi32, #tpu.memory_space<hbm>>) dst(%arg8 : memref<80xi32, #tpu.memory_space<vmem>>)
        tpu.yield
      }) : () -> ()
      "tpu.region"() ({
        %run_scoped3A = tpu.sem_alloc : memref<!tpu.dma_semaphore, #tpu.memory_space<semaphore_mem>>
        %dma_start3A_52 = tpu.memref_slice %arg4[%add3A_41] : memref<320000xi32, #tpu.memory_space<hbm>> -> memref<80xi32, #tpu.memory_space<hbm>>
        %dma_start3A_53 = tpu.memref_slice %arg4[%add3A_41] : memref<320000xi32, #tpu.memory_space<hbm>> -> memref<80xi32, #tpu.memory_space<hbm>>
        tpu.enqueue_dma source(%dma_start3A_53 : memref<80xi32, #tpu.memory_space<hbm>>) target(%arg9 : memref<80xi32, #tpu.memory_space<vmem>>) target_semaphore(%run_scoped3A : memref<!tpu.dma_semaphore, #tpu.memory_space<semaphore_mem>>)
        %dma_wait3A_54 = tpu.memref_slice %arg4[%add3A_41] : memref<320000xi32, #tpu.memory_space<hbm>> -> memref<80xi32, #tpu.memory_space<hbm>>
        %dma_wait3A_55 = tpu.memref_slice %arg4[%add3A_41] : memref<320000xi32, #tpu.memory_space<hbm>> -> memref<80xi32, #tpu.memory_space<hbm>>
        tpu.wait_dma2 semaphore(%run_scoped3A : memref<!tpu.dma_semaphore, #tpu.memory_space<semaphore_mem>>) src(%dma_wait3A_55 : memref<80xi32, #tpu.memory_space<hbm>>) dst(%arg9 : memref<80xi32, #tpu.memory_space<vmem>>)
        tpu.yield
      }) : () -> ()
      "tpu.region"() ({
        %run_scoped3A = tpu.sem_alloc : memref<!tpu.dma_semaphore, #tpu.memory_space<semaphore_mem>>
        %dma_start3A_52 = tpu.memref_slice %arg5[%add3A_41] : memref<320000xf32, #tpu.memory_space<hbm>> -> memref<80xf32, #tpu.memory_space<hbm>>
        %dma_start3A_53 = tpu.memref_slice %arg5[%add3A_41] : memref<320000xf32, #tpu.memory_space<hbm>> -> memref<80xf32, #tpu.memory_space<hbm>>
        tpu.enqueue_dma source(%dma_start3A_53 : memref<80xf32, #tpu.memory_space<hbm>>) target(%arg10 : memref<80xf32, #tpu.memory_space<vmem>>) target_semaphore(%run_scoped3A : memref<!tpu.dma_semaphore, #tpu.memory_space<semaphore_mem>>)
        %dma_wait3A_54 = tpu.memref_slice %arg5[%add3A_41] : memref<320000xf32, #tpu.memory_space<hbm>> -> memref<80xf32, #tpu.memory_space<hbm>>
        %dma_wait3A_55 = tpu.memref_slice %arg5[%add3A_41] : memref<320000xf32, #tpu.memory_space<hbm>> -> memref<80xf32, #tpu.memory_space<hbm>>
        tpu.wait_dma2 semaphore(%run_scoped3A : memref<!tpu.dma_semaphore, #tpu.memory_space<semaphore_mem>>) src(%dma_wait3A_55 : memref<80xf32, #tpu.memory_space<hbm>>) dst(%arg10 : memref<80xf32, #tpu.memory_space<vmem>>)
        tpu.yield
      }) : () -> ()
      %dma_start3A = arith.constant 0 : i32
      %dma_start3A_42 = arith.constant 0 : i32
      %dma_start3A_43 = tpu.memref_slice %arg2[%dma_start3A, %dma_start3A_42] : memref<10000x128xf32, #tpu.memory_space<hbm>> -> memref<10000x128xf32, #tpu.memory_space<hbm>>
      tpu.enqueue_indirect_dma source(%dma_start3A_43 : memref<10000x128xf32, #tpu.memory_space<hbm>>) target(%arg11 : memref<80x128xf32, #tpu.memory_space<vmem>>) offsets(%arg8 : memref<80xi32, #tpu.memory_space<vmem>>) semaphore(%arg13 : memref<!tpu.dma_semaphore, #tpu.memory_space<semaphore_mem>>)
      %dma_wait3A = arith.constant 0 : i32
      %dma_wait3A_44 = arith.constant 0 : i32
      %dma_wait3A_45 = tpu.memref_slice %arg2[%dma_wait3A, %dma_wait3A_44] : memref<10000x128xf32, #tpu.memory_space<hbm>> -> memref<10000x128xf32, #tpu.memory_space<hbm>>
      tpu.wait_indirect_dma semaphore(%arg13 : memref<!tpu.dma_semaphore, #tpu.memory_space<semaphore_mem>>) src(%dma_wait3A_45 : memref<10000x128xf32, #tpu.memory_space<hbm>>) dst(%arg11 : memref<80x128xf32, #tpu.memory_space<vmem>>)
      %scan3A_46 = arith.constant 0 : i32
      %scan3A_47 = arith.constant 0 : i32
      %scan3A_48 = arith.constant 80 : i32
      %scan3A_49 = arith.addi %scan3A_47, %scan3A_48 : i32
      %scan3A_50 = arith.constant 1 : i32
      scf.for %scan3A_52 = %scan3A_47 to %scan3A_49 step %scan3A_50  : i32 {
        %broadcast_in_dim3A_53 = vector.broadcast %scan3A_52 : i32 to vector<16xi32>
        %gather3A = tpu.vector_load_idx %arg10[%broadcast_in_dim3A_53] : memref<80xf32, #tpu.memory_space<vmem>>[vector<16xi32>], vector<16xf32>,
        %get3A = arith.index_cast %scan3A_52 : i32 to index
        %get3A_54 = arith.constant 0 : index
        %get3A_55 = tpu.vector_load %arg11[%get3A, %get3A_54] {strides = array<i32>} : memref<80x128xf32, #tpu.memory_space<vmem>>, vector<16xf32>,
        %mul3A_56 = arith.mulf %get3A_55, %gather3A : vector<16xf32>
        %swap3A = arith.index_cast %scan3A_52 : i32 to index
        %swap3A_57 = arith.constant 0 : index
        %swap3A_58 = tpu.vector_load %arg11[%swap3A, %swap3A_57] {strides = array<i32>} : memref<80x128xf32, #tpu.memory_space<vmem>>, vector<16xf32>,
        tpu.vector_store %arg11[%swap3A, %swap3A_57], %mul3A_56 {strides = array<i32>} : memref<80x128xf32, #tpu.memory_space<vmem>>, vector<16xf32>,
        %get3A_59 = arith.index_cast %scan3A_52 : i32 to index
        %get3A_60 = arith.constant 16 : index
        %get3A_61 = tpu.vector_load %arg11[%get3A_59, %get3A_60] {strides = array<i32>} : memref<80x128xf32, #tpu.memory_space<vmem>>, vector<16xf32>,
        %mul3A_62 = arith.mulf %get3A_61, %gather3A : vector<16xf32>
        %swap3A_63 = arith.index_cast %scan3A_52 : i32 to index
        %swap3A_64 = arith.constant 16 : index
        %swap3A_65 = tpu.vector_load %arg11[%swap3A_63, %swap3A_64] {strides = array<i32>} : memref<80x128xf32, #tpu.memory_space<vmem>>, vector<16xf32>,
        tpu.vector_store %arg11[%swap3A_63, %swap3A_64], %mul3A_62 {strides = array<i32>} : memref<80x128xf32, #tpu.memory_space<vmem>>, vector<16xf32>,
        %get3A_66 = arith.index_cast %scan3A_52 : i32 to index
        %get3A_67 = arith.constant 32 : index
        %get3A_68 = tpu.vector_load %arg11[%get3A_66, %get3A_67] {strides = array<i32>} : memref<80x128xf32, #tpu.memory_space<vmem>>, vector<16xf32>,
        %mul3A_69 = arith.mulf %get3A_68, %gather3A : vector<16xf32>
        %swap3A_70 = arith.index_cast %scan3A_52 : i32 to index
        %swap3A_71 = arith.constant 32 : index
        %swap3A_72 = tpu.vector_load %arg11[%swap3A_70, %swap3A_71] {strides = array<i32>} : memref<80x128xf32, #tpu.memory_space<vmem>>, vector<16xf32>,
        tpu.vector_store %arg11[%swap3A_70, %swap3A_71], %mul3A_69 {strides = array<i32>} : memref<80x128xf32, #tpu.memory_space<vmem>>, vector<16xf32>,
        %get3A_73 = arith.index_cast %scan3A_52 : i32 to index
        %get3A_74 = arith.constant 48 : index
        %get3A_75 = tpu.vector_load %arg11[%get3A_73, %get3A_74] {strides = array<i32>} : memref<80x128xf32, #tpu.memory_space<vmem>>, vector<16xf32>,
        %mul3A_76 = arith.mulf %get3A_75, %gather3A : vector<16xf32>
        %swap3A_77 = arith.index_cast %scan3A_52 : i32 to index
        %swap3A_78 = arith.constant 48 : index
        %swap3A_79 = tpu.vector_load %arg11[%swap3A_77, %swap3A_78] {strides = array<i32>} : memref<80x128xf32, #tpu.memory_space<vmem>>, vector<16xf32>,
        tpu.vector_store %arg11[%swap3A_77, %swap3A_78], %mul3A_76 {strides = array<i32>} : memref<80x128xf32, #tpu.memory_space<vmem>>, vector<16xf32>,
        %get3A_80 = arith.index_cast %scan3A_52 : i32 to index
        %get3A_81 = arith.constant 64 : index
        %get3A_82 = tpu.vector_load %arg11[%get3A_80, %get3A_81] {strides = array<i32>} : memref<80x128xf32, #tpu.memory_space<vmem>>, vector<16xf32>,
        %mul3A_83 = arith.mulf %get3A_82, %gather3A : vector<16xf32>
        %swap3A_84 = arith.index_cast %scan3A_52 : i32 to index
        %swap3A_85 = arith.constant 64 : index
        %swap3A_86 = tpu.vector_load %arg11[%swap3A_84, %swap3A_85] {strides = array<i32>} : memref<80x128xf32, #tpu.memory_space<vmem>>, vector<16xf32>,
        tpu.vector_store %arg11[%swap3A_84, %swap3A_85], %mul3A_83 {strides = array<i32>} : memref<80x128xf32, #tpu.memory_space<vmem>>, vector<16xf32>,
        %get3A_87 = arith.index_cast %scan3A_52 : i32 to index
        %get3A_88 = arith.constant 80 : index
        %get3A_89 = tpu.vector_load %arg11[%get3A_87, %get3A_88] {strides = array<i32>} : memref<80x128xf32, #tpu.memory_space<vmem>>, vector<16xf32>,
        %mul3A_90 = arith.mulf %get3A_89, %gather3A : vector<16xf32>
        %swap3A_91 = arith.index_cast %scan3A_52 : i32 to index
        %swap3A_92 = arith.constant 80 : index
        %swap3A_93 = tpu.vector_load %arg11[%swap3A_91, %swap3A_92] {strides = array<i32>} : memref<80x128xf32, #tpu.memory_space<vmem>>, vector<16xf32>,
        tpu.vector_store %arg11[%swap3A_91, %swap3A_92], %mul3A_90 {strides = array<i32>} : memref<80x128xf32, #tpu.memory_space<vmem>>, vector<16xf32>,
        %get3A_94 = arith.index_cast %scan3A_52 : i32 to index
        %get3A_95 = arith.constant 96 : index
        %get3A_96 = tpu.vector_load %arg11[%get3A_94, %get3A_95] {strides = array<i32>} : memref<80x128xf32, #tpu.memory_space<vmem>>, vector<16xf32>,
        %mul3A_97 = arith.mulf %get3A_96, %gather3A : vector<16xf32>
        %swap3A_98 = arith.index_cast %scan3A_52 : i32 to index
        %swap3A_99 = arith.constant 96 : index
        %swap3A_100 = tpu.vector_load %arg11[%swap3A_98, %swap3A_99] {strides = array<i32>} : memref<80x128xf32, #tpu.memory_space<vmem>>, vector<16xf32>,
        tpu.vector_store %arg11[%swap3A_98, %swap3A_99], %mul3A_97 {strides = array<i32>} : memref<80x128xf32, #tpu.memory_space<vmem>>, vector<16xf32>,
        %get3A_101 = arith.index_cast %scan3A_52 : i32 to index
        %get3A_102 = arith.constant 112 : index
        %get3A_103 = tpu.vector_load %arg11[%get3A_101, %get3A_102] {strides = array<i32>} : memref<80x128xf32, #tpu.memory_space<vmem>>, vector<16xf32>,
        %mul3A_104 = arith.mulf %get3A_103, %gather3A : vector<16xf32>
        %swap3A_105 = arith.index_cast %scan3A_52 : i32 to index
        %swap3A_106 = arith.constant 112 : index
        %swap3A_107 = tpu.vector_load %arg11[%swap3A_105, %swap3A_106] {strides = array<i32>} : memref<80x128xf32, #tpu.memory_space<vmem>>, vector<16xf32>,
        tpu.vector_store %arg11[%swap3A_105, %swap3A_106], %mul3A_104 {strides = array<i32>} : memref<80x128xf32, #tpu.memory_space<vmem>>, vector<16xf32>,
      }
      %scan3A_51 = arith.constant 80 : i32
      "tpu.region"() ({
        %run_scoped3A = tpu.sem_alloc : memref<!tpu.dma_semaphore, #tpu.memory_space<semaphore_mem>>
        %dma_start3A_52 = arith.constant 0 : i32
        %dma_start3A_53 = arith.constant 0 : i32
        %dma_start3A_54 = tpu.memref_slice %arg7[%dma_start3A_52, %dma_start3A_53] : memref<10240x128xf32, #tpu.memory_space<vmem_shared>> -> memref<10240x128xf32, #tpu.memory_space<vmem_shared>>
        tpu.enqueue_indirect_dma source(%arg11 : memref<80x128xf32, #tpu.memory_space<vmem>>) target(%dma_start3A_54 : memref<10240x128xf32, #tpu.memory_space<vmem_shared>>) offsets(%arg9 : memref<80xi32, #tpu.memory_space<vmem>>) semaphore(%run_scoped3A : memref<!tpu.dma_semaphore, #tpu.memory_space<semaphore_mem>>) {add = true}
        %dma_wait3A_55 = arith.constant 0 : i32
        %dma_wait3A_56 = arith.constant 0 : i32
        %dma_wait3A_57 = tpu.memref_slice %arg7[%dma_wait3A_55, %dma_wait3A_56] : memref<10240x128xf32, #tpu.memory_space<vmem_shared>> -> memref<10240x128xf32, #tpu.memory_space<vmem_shared>>
        tpu.wait_indirect_dma semaphore(%run_scoped3A : memref<!tpu.dma_semaphore, #tpu.memory_space<semaphore_mem>>) src(%arg11 : memref<80x128xf32, #tpu.memory_space<vmem>>) dst(%dma_wait3A_57 : memref<10240x128xf32, #tpu.memory_space<vmem_shared>>)
        tpu.yield
      }) : () -> ()
    }
    %scan3A_26 = arith.constant 125 : i32
    %barrier3A_27 = arith.constant 0 : index
    tpu.barrier barrier_id(%barrier3A_27)
    %add3A_28 = arith.constant 0 : i32
    %add3A_29 = arith.addi %mul3A_8, %add3A_28 : i32
    "tpu.region"() ({
      %run_scoped3A = tpu.sem_alloc : memref<!tpu.dma_semaphore, #tpu.memory_space<semaphore_mem>>
      %dma_start3A = arith.constant 0 : i32
      %dma_start3A_38 = tpu.memref_slice %arg7[%add3A_29, %dma_start3A] : memref<10240x128xf32, #tpu.memory_space<vmem_shared>> -> memref<128x128xf32, #tpu.memory_space<vmem_shared>>
      %dma_start3A_39 = arith.constant 0 : i32
      %dma_start3A_40 = tpu.memref_slice %arg7[%add3A_29, %dma_start3A_39] : memref<10240x128xf32, #tpu.memory_space<vmem_shared>> -> memref<128x128xf32, #tpu.memory_space<vmem_shared>>
      tpu.enqueue_dma source(%dma_start3A_40 : memref<128x128xf32, #tpu.memory_space<vmem_shared>>) target(%arg12 : memref<128x128xf32, #tpu.memory_space<vmem>>) target_semaphore(%run_scoped3A : memref<!tpu.dma_semaphore, #tpu.memory_space<semaphore_mem>>)
      %dma_wait3A = arith.constant 0 : i32
      %dma_wait3A_41 = tpu.memref_slice %arg7[%add3A_29, %dma_wait3A] : memref<10240x128xf32, #tpu.memory_space<vmem_shared>> -> memref<128x128xf32, #tpu.memory_space<vmem_shared>>
      %dma_wait3A_42 = arith.constant 0 : i32
      %dma_wait3A_43 = tpu.memref_slice %arg7[%add3A_29, %dma_wait3A_42] : memref<10240x128xf32, #tpu.memory_space<vmem_shared>> -> memref<128x128xf32, #tpu.memory_space<vmem_shared>>
      tpu.wait_dma2 semaphore(%run_scoped3A : memref<!tpu.dma_semaphore, #tpu.memory_space<semaphore_mem>>) src(%dma_wait3A_43 : memref<128x128xf32, #tpu.memory_space<vmem_shared>>) dst(%arg12 : memref<128x128xf32, #tpu.memory_space<vmem>>)
      tpu.yield
    }) : () -> ()
    "tpu.region"() ({
      %run_scoped3A = tpu.sem_alloc : memref<!tpu.dma_semaphore, #tpu.memory_space<semaphore_mem>>
      %dma_start3A = arith.constant 0 : i32
      %dma_start3A_38 = tpu.memref_slice %arg6[%arg0, %add3A_29, %dma_start3A] : memref<2x10240x128xf32, #tpu.memory_space<hbm>> -> memref<1x128x128xf32, #tpu.memory_space<hbm>>
      %dma_start3A_39 = tpu.memref_squeeze %dma_start3A_38 : memref<1x128x128xf32, #tpu.memory_space<hbm>> -> memref<128x128xf32, #tpu.memory_space<hbm>>
      %dma_start3A_40 = arith.constant 0 : i32
      %dma_start3A_41 = tpu.memref_slice %arg6[%arg0, %add3A_29, %dma_start3A_40] : memref<2x10240x128xf32, #tpu.memory_space<hbm>> -> memref<1x128x128xf32, #tpu.memory_space<hbm>>
      %dma_start3A_42 = tpu.memref_squeeze %dma_start3A_41 : memref<1x128x128xf32, #tpu.memory_space<hbm>> -> memref<128x128xf32, #tpu.memory_space<hbm>>
      tpu.enqueue_dma source(%arg12 : memref<128x128xf32, #tpu.memory_space<vmem>>) target(%dma_start3A_42 : memref<128x128xf32, #tpu.memory_space<hbm>>) target_semaphore(%run_scoped3A : memref<!tpu.dma_semaphore, #tpu.memory_space<semaphore_mem>>)
      %dma_wait3A = arith.constant 0 : i32
      %dma_wait3A_43 = tpu.memref_slice %arg6[%arg0, %add3A_29, %dma_wait3A] : memref<2x10240x128xf32, #tpu.memory_space<hbm>> -> memref<1x128x128xf32, #tpu.memory_space<hbm>>
      %dma_wait3A_44 = tpu.memref_squeeze %dma_wait3A_43 : memref<1x128x128xf32, #tpu.memory_space<hbm>> -> memref<128x128xf32, #tpu.memory_space<hbm>>
      %dma_wait3A_45 = arith.constant 0 : i32
      %dma_wait3A_46 = tpu.memref_slice %arg6[%arg0, %add3A_29, %dma_wait3A_45] : memref<2x10240x128xf32, #tpu.memory_space<hbm>> -> memref<1x128x128xf32, #tpu.memory_space<hbm>>
      %dma_wait3A_47 = tpu.memref_squeeze %dma_wait3A_46 : memref<1x128x128xf32, #tpu.memory_space<hbm>> -> memref<128x128xf32, #tpu.memory_space<hbm>>
      tpu.wait_dma2 semaphore(%run_scoped3A : memref<!tpu.dma_semaphore, #tpu.memory_space<semaphore_mem>>) src(%arg12 : memref<128x128xf32, #tpu.memory_space<vmem>>) dst(%dma_wait3A_47 : memref<128x128xf32, #tpu.memory_space<hbm>>)
      tpu.yield
    }) : () -> ()
    %add3A_30 = arith.constant 128 : i32
    %add3A_31 = arith.addi %mul3A_8, %add3A_30 : i32
    "tpu.region"() ({
      %run_scoped3A = tpu.sem_alloc : memref<!tpu.dma_semaphore, #tpu.memory_space<semaphore_mem>>
      %dma_start3A = arith.constant 0 : i32
      %dma_start3A_38 = tpu.memref_slice %arg7[%add3A_31, %dma_start3A] : memref<10240x128xf32, #tpu.memory_space<vmem_shared>> -> memref<128x128xf32, #tpu.memory_space<vmem_shared>>
      %dma_start3A_39 = arith.constant 0 : i32
      %dma_start3A_40 = tpu.memref_slice %arg7[%add3A_31, %dma_start3A_39] : memref<10240x128xf32, #tpu.memory_space<vmem_shared>> -> memref<128x128xf32, #tpu.memory_space<vmem_shared>>
      tpu.enqueue_dma source(%dma_start3A_40 : memref<128x128xf32, #tpu.memory_space<vmem_shared>>) target(%arg12 : memref<128x128xf32, #tpu.memory_space<vmem>>) target_semaphore(%run_scoped3A : memref<!tpu.dma_semaphore, #tpu.memory_space<semaphore_mem>>)
      %dma_wait3A = arith.constant 0 : i32
      %dma_wait3A_41 = tpu.memref_slice %arg7[%add3A_31, %dma_wait3A] : memref<10240x128xf32, #tpu.memory_space<vmem_shared>> -> memref<128x128xf32, #tpu.memory_space<vmem_shared>>
      %dma_wait3A_42 = arith.constant 0 : i32
      %dma_wait3A_43 = tpu.memref_slice %arg7[%add3A_31, %dma_wait3A_42] : memref<10240x128xf32, #tpu.memory_space<vmem_shared>> -> memref<128x128xf32, #tpu.memory_space<vmem_shared>>
      tpu.wait_dma2 semaphore(%run_scoped3A : memref<!tpu.dma_semaphore, #tpu.memory_space<semaphore_mem>>) src(%dma_wait3A_43 : memref<128x128xf32, #tpu.memory_space<vmem_shared>>) dst(%arg12 : memref<128x128xf32, #tpu.memory_space<vmem>>)
      tpu.yield
    }) : () -> ()
    "tpu.region"() ({
      %run_scoped3A = tpu.sem_alloc : memref<!tpu.dma_semaphore, #tpu.memory_space<semaphore_mem>>
      %dma_start3A = arith.constant 0 : i32
      %dma_start3A_38 = tpu.memref_slice %arg6[%arg0, %add3A_31, %dma_start3A] : memref<2x10240x128xf32, #tpu.memory_space<hbm>> -> memref<1x128x128xf32, #tpu.memory_space<hbm>>
      %dma_start3A_39 = tpu.memref_squeeze %dma_start3A_38 : memref<1x128x128xf32, #tpu.memory_space<hbm>> -> memref<128x128xf32, #tpu.memory_space<hbm>>
      %dma_start3A_40 = arith.constant 0 : i32
      %dma_start3A_41 = tpu.memref_slice %arg6[%arg0, %add3A_31, %dma_start3A_40] : memref<2x10240x128xf32, #tpu.memory_space<hbm>> -> memref<1x128x128xf32, #tpu.memory_space<hbm>>
      %dma_start3A_42 = tpu.memref_squeeze %dma_start3A_41 : memref<1x128x128xf32, #tpu.memory_space<hbm>> -> memref<128x128xf32, #tpu.memory_space<hbm>>
      tpu.enqueue_dma source(%arg12 : memref<128x128xf32, #tpu.memory_space<vmem>>) target(%dma_start3A_42 : memref<128x128xf32, #tpu.memory_space<hbm>>) target_semaphore(%run_scoped3A : memref<!tpu.dma_semaphore, #tpu.memory_space<semaphore_mem>>)
      %dma_wait3A = arith.constant 0 : i32
      %dma_wait3A_43 = tpu.memref_slice %arg6[%arg0, %add3A_31, %dma_wait3A] : memref<2x10240x128xf32, #tpu.memory_space<hbm>> -> memref<1x128x128xf32, #tpu.memory_space<hbm>>
      %dma_wait3A_44 = tpu.memref_squeeze %dma_wait3A_43 : memref<1x128x128xf32, #tpu.memory_space<hbm>> -> memref<128x128xf32, #tpu.memory_space<hbm>>
      %dma_wait3A_45 = arith.constant 0 : i32
      %dma_wait3A_46 = tpu.memref_slice %arg6[%arg0, %add3A_31, %dma_wait3A_45] : memref<2x10240x128xf32, #tpu.memory_space<hbm>> -> memref<1x128x128xf32, #tpu.memory_space<hbm>>
      %dma_wait3A_47 = tpu.memref_squeeze %dma_wait3A_46 : memref<1x128x128xf32, #tpu.memory_space<hbm>> -> memref<128x128xf32, #tpu.memory_space<hbm>>
      tpu.wait_dma2 semaphore(%run_scoped3A : memref<!tpu.dma_semaphore, #tpu.memory_space<semaphore_mem>>) src(%arg12 : memref<128x128xf32, #tpu.memory_space<vmem>>) dst(%dma_wait3A_47 : memref<128x128xf32, #tpu.memory_space<hbm>>)
      tpu.yield
    }) : () -> ()
    %add3A_32 = arith.constant 256 : i32
    %add3A_33 = arith.addi %mul3A_8, %add3A_32 : i32
    "tpu.region"() ({
      %run_scoped3A = tpu.sem_alloc : memref<!tpu.dma_semaphore, #tpu.memory_space<semaphore_mem>>
      %dma_start3A = arith.constant 0 : i32
      %dma_start3A_38 = tpu.memref_slice %arg7[%add3A_33, %dma_start3A] : memref<10240x128xf32, #tpu.memory_space<vmem_shared>> -> memref<128x128xf32, #tpu.memory_space<vmem_shared>>
      %dma_start3A_39 = arith.constant 0 : i32
      %dma_start3A_40 = tpu.memref_slice %arg7[%add3A_33, %dma_start3A_39] : memref<10240x128xf32, #tpu.memory_space<vmem_shared>> -> memref<128x128xf32, #tpu.memory_space<vmem_shared>>
      tpu.enqueue_dma source(%dma_start3A_40 : memref<128x128xf32, #tpu.memory_space<vmem_shared>>) target(%arg12 : memref<128x128xf32, #tpu.memory_space<vmem>>) target_semaphore(%run_scoped3A : memref<!tpu.dma_semaphore, #tpu.memory_space<semaphore_mem>>)
      %dma_wait3A = arith.constant 0 : i32
      %dma_wait3A_41 = tpu.memref_slice %arg7[%add3A_33, %dma_wait3A] : memref<10240x128xf32, #tpu.memory_space<vmem_shared>> -> memref<128x128xf32, #tpu.memory_space<vmem_shared>>
      %dma_wait3A_42 = arith.constant 0 : i32
      %dma_wait3A_43 = tpu.memref_slice %arg7[%add3A_33, %dma_wait3A_42] : memref<10240x128xf32, #tpu.memory_space<vmem_shared>> -> memref<128x128xf32, #tpu.memory_space<vmem_shared>>
      tpu.wait_dma2 semaphore(%run_scoped3A : memref<!tpu.dma_semaphore, #tpu.memory_space<semaphore_mem>>) src(%dma_wait3A_43 : memref<128x128xf32, #tpu.memory_space<vmem_shared>>) dst(%arg12 : memref<128x128xf32, #tpu.memory_space<vmem>>)
      tpu.yield
    }) : () -> ()
    "tpu.region"() ({
      %run_scoped3A = tpu.sem_alloc : memref<!tpu.dma_semaphore, #tpu.memory_space<semaphore_mem>>
      %dma_start3A = arith.constant 0 : i32
      %dma_start3A_38 = tpu.memref_slice %arg6[%arg0, %add3A_33, %dma_start3A] : memref<2x10240x128xf32, #tpu.memory_space<hbm>> -> memref<1x128x128xf32, #tpu.memory_space<hbm>>
      %dma_start3A_39 = tpu.memref_squeeze %dma_start3A_38 : memref<1x128x128xf32, #tpu.memory_space<hbm>> -> memref<128x128xf32, #tpu.memory_space<hbm>>
      %dma_start3A_40 = arith.constant 0 : i32
      %dma_start3A_41 = tpu.memref_slice %arg6[%arg0, %add3A_33, %dma_start3A_40] : memref<2x10240x128xf32, #tpu.memory_space<hbm>> -> memref<1x128x128xf32, #tpu.memory_space<hbm>>
      %dma_start3A_42 = tpu.memref_squeeze %dma_start3A_41 : memref<1x128x128xf32, #tpu.memory_space<hbm>> -> memref<128x128xf32, #tpu.memory_space<hbm>>
      tpu.enqueue_dma source(%arg12 : memref<128x128xf32, #tpu.memory_space<vmem>>) target(%dma_start3A_42 : memref<128x128xf32, #tpu.memory_space<hbm>>) target_semaphore(%run_scoped3A : memref<!tpu.dma_semaphore, #tpu.memory_space<semaphore_mem>>)
      %dma_wait3A = arith.constant 0 : i32
      %dma_wait3A_43 = tpu.memref_slice %arg6[%arg0, %add3A_33, %dma_wait3A] : memref<2x10240x128xf32, #tpu.memory_space<hbm>> -> memref<1x128x128xf32, #tpu.memory_space<hbm>>
      %dma_wait3A_44 = tpu.memref_squeeze %dma_wait3A_43 : memref<1x128x128xf32, #tpu.memory_space<hbm>> -> memref<128x128xf32, #tpu.memory_space<hbm>>
      %dma_wait3A_45 = arith.constant 0 : i32
      %dma_wait3A_46 = tpu.memref_slice %arg6[%arg0, %add3A_33, %dma_wait3A_45] : memref<2x10240x128xf32, #tpu.memory_space<hbm>> -> memref<1x128x128xf32, #tpu.memory_space<hbm>>
      %dma_wait3A_47 = tpu.memref_squeeze %dma_wait3A_46 : memref<1x128x128xf32, #tpu.memory_space<hbm>> -> memref<128x128xf32, #tpu.memory_space<hbm>>
      tpu.wait_dma2 semaphore(%run_scoped3A : memref<!tpu.dma_semaphore, #tpu.memory_space<semaphore_mem>>) src(%arg12 : memref<128x128xf32, #tpu.memory_space<vmem>>) dst(%dma_wait3A_47 : memref<128x128xf32, #tpu.memory_space<hbm>>)
      tpu.yield
    }) : () -> ()
    %add3A_34 = arith.constant 384 : i32
    %add3A_35 = arith.addi %mul3A_8, %add3A_34 : i32
    "tpu.region"() ({
      %run_scoped3A = tpu.sem_alloc : memref<!tpu.dma_semaphore, #tpu.memory_space<semaphore_mem>>
      %dma_start3A = arith.constant 0 : i32
      %dma_start3A_38 = tpu.memref_slice %arg7[%add3A_35, %dma_start3A] : memref<10240x128xf32, #tpu.memory_space<vmem_shared>> -> memref<128x128xf32, #tpu.memory_space<vmem_shared>>
      %dma_start3A_39 = arith.constant 0 : i32
      %dma_start3A_40 = tpu.memref_slice %arg7[%add3A_35, %dma_start3A_39] : memref<10240x128xf32, #tpu.memory_space<vmem_shared>> -> memref<128x128xf32, #tpu.memory_space<vmem_shared>>
      tpu.enqueue_dma source(%dma_start3A_40 : memref<128x128xf32, #tpu.memory_space<vmem_shared>>) target(%arg12 : memref<128x128xf32, #tpu.memory_space<vmem>>) target_semaphore(%run_scoped3A : memref<!tpu.dma_semaphore, #tpu.memory_space<semaphore_mem>>)
      %dma_wait3A = arith.constant 0 : i32
      %dma_wait3A_41 = tpu.memref_slice %arg7[%add3A_35, %dma_wait3A] : memref<10240x128xf32, #tpu.memory_space<vmem_shared>> -> memref<128x128xf32, #tpu.memory_space<vmem_shared>>
      %dma_wait3A_42 = arith.constant 0 : i32
      %dma_wait3A_43 = tpu.memref_slice %arg7[%add3A_35, %dma_wait3A_42] : memref<10240x128xf32, #tpu.memory_space<vmem_shared>> -> memref<128x128xf32, #tpu.memory_space<vmem_shared>>
      tpu.wait_dma2 semaphore(%run_scoped3A : memref<!tpu.dma_semaphore, #tpu.memory_space<semaphore_mem>>) src(%dma_wait3A_43 : memref<128x128xf32, #tpu.memory_space<vmem_shared>>) dst(%arg12 : memref<128x128xf32, #tpu.memory_space<vmem>>)
      tpu.yield
    }) : () -> ()
    "tpu.region"() ({
      %run_scoped3A = tpu.sem_alloc : memref<!tpu.dma_semaphore, #tpu.memory_space<semaphore_mem>>
      %dma_start3A = arith.constant 0 : i32
      %dma_start3A_38 = tpu.memref_slice %arg6[%arg0, %add3A_35, %dma_start3A] : memref<2x10240x128xf32, #tpu.memory_space<hbm>> -> memref<1x128x128xf32, #tpu.memory_space<hbm>>
      %dma_start3A_39 = tpu.memref_squeeze %dma_start3A_38 : memref<1x128x128xf32, #tpu.memory_space<hbm>> -> memref<128x128xf32, #tpu.memory_space<hbm>>
      %dma_start3A_40 = arith.constant 0 : i32
      %dma_start3A_41 = tpu.memref_slice %arg6[%arg0, %add3A_35, %dma_start3A_40] : memref<2x10240x128xf32, #tpu.memory_space<hbm>> -> memref<1x128x128xf32, #tpu.memory_space<hbm>>
      %dma_start3A_42 = tpu.memref_squeeze %dma_start3A_41 : memref<1x128x128xf32, #tpu.memory_space<hbm>> -> memref<128x128xf32, #tpu.memory_space<hbm>>
      tpu.enqueue_dma source(%arg12 : memref<128x128xf32, #tpu.memory_space<vmem>>) target(%dma_start3A_42 : memref<128x128xf32, #tpu.memory_space<hbm>>) target_semaphore(%run_scoped3A : memref<!tpu.dma_semaphore, #tpu.memory_space<semaphore_mem>>)
      %dma_wait3A = arith.constant 0 : i32
      %dma_wait3A_43 = tpu.memref_slice %arg6[%arg0, %add3A_35, %dma_wait3A] : memref<2x10240x128xf32, #tpu.memory_space<hbm>> -> memref<1x128x128xf32, #tpu.memory_space<hbm>>
      %dma_wait3A_44 = tpu.memref_squeeze %dma_wait3A_43 : memref<1x128x128xf32, #tpu.memory_space<hbm>> -> memref<128x128xf32, #tpu.memory_space<hbm>>
      %dma_wait3A_45 = arith.constant 0 : i32
      %dma_wait3A_46 = tpu.memref_slice %arg6[%arg0, %add3A_35, %dma_wait3A_45] : memref<2x10240x128xf32, #tpu.memory_space<hbm>> -> memref<1x128x128xf32, #tpu.memory_space<hbm>>
      %dma_wait3A_47 = tpu.memref_squeeze %dma_wait3A_46 : memref<1x128x128xf32, #tpu.memory_space<hbm>> -> memref<128x128xf32, #tpu.memory_space<hbm>>
      tpu.wait_dma2 semaphore(%run_scoped3A : memref<!tpu.dma_semaphore, #tpu.memory_space<semaphore_mem>>) src(%arg12 : memref<128x128xf32, #tpu.memory_space<vmem>>) dst(%dma_wait3A_47 : memref<128x128xf32, #tpu.memory_space<hbm>>)
      tpu.yield
    }) : () -> ()
    %add3A_36 = arith.constant 512 : i32
    %add3A_37 = arith.addi %mul3A_8, %add3A_36 : i32
    "tpu.region"() ({
      %run_scoped3A = tpu.sem_alloc : memref<!tpu.dma_semaphore, #tpu.memory_space<semaphore_mem>>
      %dma_start3A = arith.constant 0 : i32
      %dma_start3A_38 = tpu.memref_slice %arg7[%add3A_37, %dma_start3A] : memref<10240x128xf32, #tpu.memory_space<vmem_shared>> -> memref<128x128xf32, #tpu.memory_space<vmem_shared>>
      %dma_start3A_39 = arith.constant 0 : i32
      %dma_start3A_40 = tpu.memref_slice %arg7[%add3A_37, %dma_start3A_39] : memref<10240x128xf32, #tpu.memory_space<vmem_shared>> -> memref<128x128xf32, #tpu.memory_space<vmem_shared>>
      tpu.enqueue_dma source(%dma_start3A_40 : memref<128x128xf32, #tpu.memory_space<vmem_shared>>) target(%arg12 : memref<128x128xf32, #tpu.memory_space<vmem>>) target_semaphore(%run_scoped3A : memref<!tpu.dma_semaphore, #tpu.memory_space<semaphore_mem>>)
      %dma_wait3A = arith.constant 0 : i32
      %dma_wait3A_41 = tpu.memref_slice %arg7[%add3A_37, %dma_wait3A] : memref<10240x128xf32, #tpu.memory_space<vmem_shared>> -> memref<128x128xf32, #tpu.memory_space<vmem_shared>>
      %dma_wait3A_42 = arith.constant 0 : i32
      %dma_wait3A_43 = tpu.memref_slice %arg7[%add3A_37, %dma_wait3A_42] : memref<10240x128xf32, #tpu.memory_space<vmem_shared>> -> memref<128x128xf32, #tpu.memory_space<vmem_shared>>
      tpu.wait_dma2 semaphore(%run_scoped3A : memref<!tpu.dma_semaphore, #tpu.memory_space<semaphore_mem>>) src(%dma_wait3A_43 : memref<128x128xf32, #tpu.memory_space<vmem_shared>>) dst(%arg12 : memref<128x128xf32, #tpu.memory_space<vmem>>)
      tpu.yield
    }) : () -> ()
    "tpu.region"() ({
      %run_scoped3A = tpu.sem_alloc : memref<!tpu.dma_semaphore, #tpu.memory_space<semaphore_mem>>
      %dma_start3A = arith.constant 0 : i32
      %dma_start3A_38 = tpu.memref_slice %arg6[%arg0, %add3A_37, %dma_start3A] : memref<2x10240x128xf32, #tpu.memory_space<hbm>> -> memref<1x128x128xf32, #tpu.memory_space<hbm>>
      %dma_start3A_39 = tpu.memref_squeeze %dma_start3A_38 : memref<1x128x128xf32, #tpu.memory_space<hbm>> -> memref<128x128xf32, #tpu.memory_space<hbm>>
      %dma_start3A_40 = arith.constant 0 : i32
      %dma_start3A_41 = tpu.memref_slice %arg6[%arg0, %add3A_37, %dma_start3A_40] : memref<2x10240x128xf32, #tpu.memory_space<hbm>> -> memref<1x128x128xf32, #tpu.memory_space<hbm>>
      %dma_start3A_42 = tpu.memref_squeeze %dma_start3A_41 : memref<1x128x128xf32, #tpu.memory_space<hbm>> -> memref<128x128xf32, #tpu.memory_space<hbm>>
      tpu.enqueue_dma source(%arg12 : memref<128x128xf32, #tpu.memory_space<vmem>>) target(%dma_start3A_42 : memref<128x128xf32, #tpu.memory_space<hbm>>) target_semaphore(%run_scoped3A : memref<!tpu.dma_semaphore, #tpu.memory_space<semaphore_mem>>)
      %dma_wait3A = arith.constant 0 : i32
      %dma_wait3A_43 = tpu.memref_slice %arg6[%arg0, %add3A_37, %dma_wait3A] : memref<2x10240x128xf32, #tpu.memory_space<hbm>> -> memref<1x128x128xf32, #tpu.memory_space<hbm>>
      %dma_wait3A_44 = tpu.memref_squeeze %dma_wait3A_43 : memref<1x128x128xf32, #tpu.memory_space<hbm>> -> memref<128x128xf32, #tpu.memory_space<hbm>>
      %dma_wait3A_45 = arith.constant 0 : i32
      %dma_wait3A_46 = tpu.memref_slice %arg6[%arg0, %add3A_37, %dma_wait3A_45] : memref<2x10240x128xf32, #tpu.memory_space<hbm>> -> memref<1x128x128xf32, #tpu.memory_space<hbm>>
      %dma_wait3A_47 = tpu.memref_squeeze %dma_wait3A_46 : memref<1x128x128xf32, #tpu.memory_space<hbm>> -> memref<128x128xf32, #tpu.memory_space<hbm>>
      tpu.wait_dma2 semaphore(%run_scoped3A : memref<!tpu.dma_semaphore, #tpu.memory_space<semaphore_mem>>) src(%arg12 : memref<128x128xf32, #tpu.memory_space<vmem>>) dst(%dma_wait3A_47 : memref<128x128xf32, #tpu.memory_space<hbm>>)
      tpu.yield
    }) : () -> ()
    return
  }
}

module attributes {stable_mosaic.version = 14 : i64} {
  func.func @_matmul_body(%arg0: i32, %arg1: memref<1000x128xf32, #tpu.memory_space<vmem>>, %arg2: memref<128x128xf32, #tpu.memory_space<vmem>>, %arg3: memref<1000x128xf32, #tpu.memory_space<vmem>>) attributes {dimension_semantics = [#tpu.dimension_semantics<arbitrary>], iteration_bounds = array<i64: 10>, scalar_prefetch = 0 : i64, scratch_operands = 0 : i64, tpu.core_type = #tpu.core_type<tc>, window_params = [{transform_indices = @transform_0, window_bounds = array<i64: 1000, 128>}, {pipeline_mode = #tpu.pipeline_mode<synchronous>, transform_indices = @transform_1, window_bounds = array<i64: 128, 128>}, {transform_indices = @transform_2, window_bounds = array<i64: 1000, 128>}]} {
    %get3A = arith.constant 0 : index
    %get3A_0 = arith.constant 0 : index
    %get3A_1 = vector.load %arg1[%get3A, %get3A_0] : memref<1000x128xf32, #tpu.memory_space<vmem>>, vector<1000x128xf32>
    %get3A_2 = arith.constant 0 : index
    %get3A_3 = arith.constant 0 : index
    %get3A_4 = vector.load %arg2[%get3A_2, %get3A_3] : memref<128x128xf32, #tpu.memory_space<vmem>>, vector<128x128xf32>
    %dot_general3A = arith.constant dense<0.000000e+00> : vector<1000x128xf32>
    %dot_general3A_5 = tpu.matmul %get3A_1, %get3A_4, %dot_general3A {dimension_numbers = #tpu.dot_dimension_numbers<[1], [0], [0], [1], [0, 0, 1, 1], [], []>, transpose_lhs_hint = false} : vector<1000x128xf32>, vector<128x128xf32>, vector<1000x128xf32> -> vector<1000x128xf32>
    %swap3A = arith.constant 0 : index
    %swap3A_6 = arith.constant 0 : index
    %swap3A_7 = vector.load %arg3[%swap3A, %swap3A_6] : memref<1000x128xf32, #tpu.memory_space<vmem>>, vector<1000x128xf32>
    tpu.vector_store %arg3[%swap3A, %swap3A_6], %dot_general3A_5 {strides = array<i32>} : memref<1000x128xf32, #tpu.memory_space<vmem>>, vector<1000x128xf32>,
    return
  }
  func.func @transform_0(%arg0: i32) -> (i32, i32) {
    %c0_i32 = arith.constant 0 : i32
    %c0_i32_0 = arith.constant 0 : i32
    return %arg0, %c0_i32 : i32, i32
  }
  func.func @transform_1(%arg0: i32) -> (i32, i32) {
    %c0_i32 = arith.constant 0 : i32
    %c0_i32_0 = arith.constant 0 : i32
    %c0_i32_1 = arith.constant 0 : i32
    return %c0_i32, %c0_i32_0 : i32, i32
  }
  func.func @transform_2(%arg0: i32) -> (i32, i32) {
    %c0_i32 = arith.constant 0 : i32
    %c0_i32_0 = arith.constant 0 : i32
    return %arg0, %c0_i32 : i32, i32
  }
}

module attributes {stable_mosaic.version = 14 : i64} {
  func.func @_add_body(%arg0: i32, %arg1: memref<1000x128xf32, #tpu.memory_space<vmem>>, %arg2: memref<1000x128xf32, #tpu.memory_space<vmem>>, %arg3: memref<1000x128xf32, #tpu.memory_space<vmem>>) attributes {dimension_semantics = [#tpu.dimension_semantics<arbitrary>], iteration_bounds = array<i64: 10>, scalar_prefetch = 0 : i64, scratch_operands = 0 : i64, tpu.core_type = #tpu.core_type<tc>, window_params = [{transform_indices = @transform_0, window_bounds = array<i64: 1000, 128>}, {transform_indices = @transform_1, window_bounds = array<i64: 1000, 128>}, {transform_indices = @transform_2, window_bounds = array<i64: 1000, 128>}]} {
    %get3A = arith.constant 0 : index
    %get3A_0 = arith.constant 0 : index
    %get3A_1 = vector.load %arg1[%get3A, %get3A_0] : memref<1000x128xf32, #tpu.memory_space<vmem>>, vector<1000x128xf32>
    %get3A_2 = arith.constant 0 : index
    %get3A_3 = arith.constant 0 : index
    %get3A_4 = vector.load %arg2[%get3A_2, %get3A_3] : memref<1000x128xf32, #tpu.memory_space<vmem>>, vector<1000x128xf32>
    %add3A = arith.addf %get3A_1, %get3A_4 : vector<1000x128xf32>
    %swap3A = arith.constant 0 : index
    %swap3A_5 = arith.constant 0 : index
    %swap3A_6 = vector.load %arg3[%swap3A, %swap3A_5] : memref<1000x128xf32, #tpu.memory_space<vmem>>, vector<1000x128xf32>
    tpu.vector_store %arg3[%swap3A, %swap3A_5], %add3A {strides = array<i32>} : memref<1000x128xf32, #tpu.memory_space<vmem>>, vector<1000x128xf32>,
    return
  }
  func.func @transform_0(%arg0: i32) -> (i32, i32) {
    %c0_i32 = arith.constant 0 : i32
    %c0_i32_0 = arith.constant 0 : i32
    return %arg0, %c0_i32 : i32, i32
  }
  func.func @transform_1(%arg0: i32) -> (i32, i32) {
    %c0_i32 = arith.constant 0 : i32
    %c0_i32_0 = arith.constant 0 : i32
    return %arg0, %c0_i32 : i32, i32
  }
  func.func @transform_2(%arg0: i32) -> (i32, i32) {
    %c0_i32 = arith.constant 0 : i32
    %c0_i32_0 = arith.constant 0 : i32
    return %arg0, %c0_i32 : i32, i32
  }
}

</mosaic_0001>

<sc_bundles>
// kernel: kernel.5.cloned.1.call-start
scs
__scs_entry_jumppad:
0x0: {  	(pc) =	sbr.rel $0x88, $3  }
0x1: {  	(tag) =	ssettag $0x0;
	lr =	simm.s32 $0x1  }
0x2: {  	[smem:$0x3F9D] =	sst lr;
	_ =	strace $0xD0000000  }
0x3: {  	_ = 	snop  }
0x4: {  	_ = 	snop  }
0x5: {  	_ = 	snop  }
0x6: {  	_ = 	snop  }
0x7: {  	_ = 	snop  }
__scs_overlays_trampoline_lowered:
0x8: {  	[smem:$0x3FAC] =	sst s0  }
0x9: {  	[smem:$0x3FAD] =	sst s1  }
0xa: {  	[smem:$0x3FAE] =	sst s2  }
0xb: {  	[smem:$0x3FAF] =	sst s3  }
0xc: {  	[smem:$0x3FB0] =	sst s4  }
0xd: {  	[smem:$0x3FB1] =	sst s5  }
0xe: {  	[smem:$0x3FB2] =	sst s6  }
0xf: {  	[smem:$0x3FB3] =	sst s7  }
0x10: {  	[smem:$0x3FB4] =	sst s8  }
0x11: {  	[smem:$0x3FB5] =	sst s9;
	s0 =	simm.s32 @!p0 $0x0  }
0x12: {  	s1 =	sld [smem:$0x3F9B];
	s0 =	simm.s32 @p0 $0x1  }
0x13: {  	[smem:$0x3FB6] =	sst s0;
	s0 =	simm.s32 @!p1 $0x0  }
0x14: {  	s2 =	sld [smem:$0x3F9A];
	s0 =	simm.s32 @p1 $0x1  }
0x15: {  	[smem:$0x3FB7] =	sst s0;
	s0 =	simm.s32 @!p2 $0x0  }
0x16: {  	s3 =	sld [smem:$0x3FDB];
	s0 =	simm.s32 @p2 $0x1  }
0x17: {  	s4 =	simm.s32 $0x1BF5;
	[smem:$0x3FB9] =	sst s0  }
0x18: {  	s0 =	sld [smem:$0x3F9C];
	_ =	swait.ge [sflag:s4], $0x0  }
0x19: {  	s7 =	sld [smem:$0x3F9D]  }
0x1a: {  	s8 =	sadd.s32 $0xFFFFE003, lr  }
0x1b: {  	s9 =	sadd.s32 $0xFFFFFEF7, lr;
	s5 =	simm.s32 $0xFFFFFFFF;
	p2 =	slt.u32 s8, $0xFFFFF086  }
0x1c: {  	p1 =	slt.u32 s9, $0xF7A;
	s5 =	simm.s32 @!p2 $0x0  }
0x1d: {  	s5 =	simm.s32 @p1 $0x1;
	p0 =	seq.s32 s7, s2  }
0x1e: {  	s7 =	smul.u32 @!p0 $0xF7A, s2;
	p2 =	seq.s32 @!p0 s5, $0x0  }
0x1f: {  	s9 =	smul.u32 $0xF7A, s1;
	s8 =	simm.s32 @!p0 $0x1BF5;
	p2 =	por !p2, p0  }
0x20: {  	[sflag:s8] =	ssyncset.s32 @!p0 $0xFFFFF086;
	s6 =	sadd.s32 @!p0 s3, s7;
	s7 =	simm.s32 @!p0 $0x108  }
0x21: {  	s3 =	sadd.s32 s3, s9;
	s6 =	sadd.s32 @!p0 $0x88, s6;
	s7 =	simm.s32 @p2 $0x1082  }
0x22: {  	[simem:s7], [sflag:s8] =	dma.local @!p0 [hbm:s6], $0xF7A  }
0x23: {  	s9 =	sor.u32 $0xD0000000, s2;
	s6 =	simm.s32 $0x108;
	_ =	swait.ge @!p0 [sflag:s8], $0x0  }
0x24: {  	s3 =	sadd.s32 $0x88, s3;
	s6 =	simm.s32 @!p1 $0x1082;
	[sflag:s4] =	ssyncset.s32 $0xFFFFF086  }
0x25: {  	[simem:s6], [sflag:s4] =	dma.local [hbm:s3], $0xF7A  }
0x26: {  	[smem:$0x3F9D] =	sst s1;
	(tag) =	ssettag s2;
	_ =	strace s9  }
0x27: {  	s1 =	sld [smem:$0x3FAD]  }
0x28: {  	s2 =	sld [smem:$0x3FAE]  }
0x29: {  	s4 =	sld [smem:$0x3FB0]  }
0x2a: {  	p0 =	seq.s32 s5, $0x0;
	s5 =	sld [smem:$0x3FB1]  }
0x2b: {  	s6 =	sld [smem:$0x3FB2]  }
0x2c: {  	s7 =	sld [smem:$0x3FB3]  }
0x2d: {  	s3 =	simm.s32 $0x108;
	s8 =	sld [smem:$0x3FB4]  }
0x2e: {  	s3 =	simm.s32 @!p0 $0x1082;
	s9 =	sld [smem:$0x3FB5]  }
0x2f: {  	lr =	sadd.s32 s0, s3;
	s0 =	sld [smem:$0x3FAC]  }
0x30: {  	s3 =	sld [smem:$0x3FAF]  }
0x31: {  	[smem:$0x3FB8] =	sst s10  }
0x32: {  	s10 =	sld [smem:$0x3FB6];
	_ =	sdelay $0x3  }
0x33: {  	p0 =	seq.s32 s10, $0x1;
	s10 =	sld [smem:$0x3FB8];
	_ =	sdelay $0x3  }
0x34: {  	[smem:$0x3FB8] =	sst s10  }
0x35: {  	s10 =	sld [smem:$0x3FB7];
	_ =	sdelay $0x3  }
0x36: {  	p1 =	seq.s32 s10, $0x1;
	s10 =	sld [smem:$0x3FB8];
	_ =	sdelay $0x3  }
0x37: {  	[smem:$0x3FB8] =	sst s10  }
0x38: {  	s10 =	sld [smem:$0x3FB9]  }
0x39: {  	_ = 	snop;
	(pc) =	sbr.ind lr, $3  }
0x3a: {  	_ = 	snop  }
0x3b: {  	_ = 	snop  }
0x3c: {  	p2 =	seq.s32 s10, $0x1;
	s10 =	sld [smem:$0x3FB8]  }
0x3d: {  	_ =	shalt  }
0x3e: {  	_ =	shalt  }
0x3f: {  	_ =	shalt  }
0x40: {  	_ =	shalt  }
0x41: {  	_ =	shalt  }
0x42: {  	_ =	shalt  }
0x43: {  	_ =	shalt  }
0x44: {  	_ =	shalt  }
0x45: {  	_ =	shalt  }
0x46: {  	_ =	shalt  }
0x47: {  	_ =	shalt  }
0x48: {  	_ =	shalt  }
0x49: {  	_ =	shalt  }
0x4a: {  	_ =	shalt  }
0x4b: {  	_ =	shalt  }
0x4c: {  	_ =	shalt  }
0x4d: {  	_ =	shalt  }
0x4e: {  	_ =	shalt  }
0x4f: {  	_ =	shalt  }
0x50: {  	_ =	shalt  }
0x51: {  	_ =	shalt  }
0x52: {  	_ =	shalt  }
0x53: {  	_ =	shalt  }
0x54: {  	_ =	shalt  }
0x55: {  	_ =	shalt  }
0x56: {  	_ =	shalt  }
0x57: {  	_ =	shalt  }
0x58: {  	_ =	shalt  }
0x59: {  	_ =	shalt  }
0x5a: {  	_ =	shalt  }
0x5b: {  	_ =	shalt  }
0x5c: {  	_ =	shalt  }
0x5d: {  	_ =	shalt  }
0x5e: {  	_ =	shalt  }
0x5f: {  	_ =	shalt  }
0x60: {  	_ =	shalt  }
0x61: {  	_ =	shalt  }
0x62: {  	_ =	shalt  }
0x63: {  	_ =	shalt  }
0x64: {  	_ =	shalt  }
0x65: {  	_ =	shalt  }
0x66: {  	_ =	shalt  }
0x67: {  	_ =	shalt  }
0x68: {  	_ =	shalt  }
0x69: {  	_ =	shalt  }
0x6a: {  	_ =	shalt  }
0x6b: {  	_ =	shalt  }
0x6c: {  	_ =	shalt  }
0x6d: {  	_ =	shalt  }
0x6e: {  	_ =	shalt  }
0x6f: {  	_ =	shalt  }
0x70: {  	_ =	shalt  }
0x71: {  	_ =	shalt  }
0x72: {  	_ =	shalt  }
0x73: {  	_ =	shalt  }
0x74: {  	_ =	shalt  }
0x75: {  	_ =	shalt  }
0x76: {  	_ =	shalt  }
0x77: {  	_ =	shalt  }
0x78: {  	_ =	shalt  }
0x79: {  	_ =	shalt  }
0x7a: {  	_ =	shalt  }
0x7b: {  	_ =	shalt  }
0x7c: {  	_ =	shalt  }
0x7d: {  	_ =	shalt  }
0x7e: {  	_ =	shalt  }
0x7f: {  	_ =	shalt  }
0x80: {  	_ =	shalt  }
0x81: {  	_ =	shalt  }
0x82: {  	_ =	shalt  }
0x83: {  	_ =	shalt  }
0x84: {  	_ =	shalt  }
0x85: {  	_ =	shalt  }
0x86: {  	_ =	shalt  }
0x87: {  	_ =	shalt  }
.Lfunc_end0:
.L_simem_size_0:
called_computation_lowered:
.L_overlay_start_0:
0x88: {  	s2 =	sld [smem:$0x3FD9]  }
0x89: {  	s3 =	sld [smem:$0x3FFE];
	_ =	sdelay $0x1  }
0x8a: {  	s1 =	srdreg.scid  }
0x8b: {  	s0 =	sand.u32 $0x1, s1  }
0x8c: {  	s17 =	sshll.u32 s0, $0xA;
	s2 =	sadd.s32 s3, s2  }
0x8d: {  	s2 =	sadd.s32 s2, s17  }
0x8e: {  	[smem:$0x3FC4] =	sst s2  }
0x8f: {  	_ = 	snop  }
0x90: {  	s2 =	sld [smem:$0x3FC7]  }
0x91: {  	s18 =	sld [smem:$0x3FD0];
	(tm) =	ssettm $0x1  }
0x92: {  	s4 =	sld [smem:$0x3FFB];
	_ =	sdelay $0x3  }
0x93: {  	_ =	strace s4  }
0x94: {  	s4 =	sld [smem:$0x3FFC];
	_ =	sdelay $0x3  }
0x95: {  	_ =	strace s4  }
0x96: {  	s4 =	sld [smem:$0x3FFD];
	_ =	sdelay $0x3  }
0x97: {  	_ =	strace s4  }
0x98: {  	_ =	strace $0x8FFFFFFF  }
0x99: {  	s19 =	sld [smem:$0x3FDB];
	_ =	sdelay $0x1  }
0x9a: {  	s5 =	simm.s32 $_scs_section_size  }
0x9b: {  	s6 =	simm.s32 $_size__tile_overlayer_lowered;
	s7 =	simm.s32 $_tile_overlayer_lowered  }
0x9c: {  	s22 =	simm.s32 $0x1BFF;
	s21 =	sshll.u32 s7, $0x1;
	s4 =	sadd.s32 s5, s19  }
0x9d: {  	s8 =	simm.s32 $0x0;
	s20 =	sshll.u32 s6, $0x1;
	s6 =	sadd.s32 s21, s4  }
0x9e: {  	[timem:s8], [sflag:s22] =	dma.local [hbm:s6], s20  }
0x9f: {  	_ =	swait.ge [sflag:s22], s20  }
0xa0: {  	s5 =	ssub.s32 $0x0, s20;
	[sflag:s22] =	ssyncset.done $0x0  }
0xa1: {  	[sflag:s22] =	ssyncadd.s32 s5;
	_ =	sdelay $0x1  }
0xa2: {  	s23 =	simm.s32 $0x1B8B  }
0xa3: {  	_ =	swait.ge [sflag:s23], $0x1  }
0xa4: {  	[sflag:s23] =	ssyncset.done $0x0  }
0xa5: {  	s25 =	simm.s32 $0x1B8E;
	s24 =	sld [smem:$0x3FFE];
	[sflag:s23] =	ssyncadd.s32 $0xFFFFFFFF  }
0xa6: {  	s26 =	simm.s32 $execute0_lowered;
	[smem:$0x3FD2] =	sst s25  }
0xa7: {  	s6 =	sshll.u32 s26, $0x1;
	_ =	strace $0x80000046;
	[dreg:$0x1] =	wrdreg $0xFFFFFFFF  }
0xa8: {  	s28 =	simm.s32 $_size_execute0_lowered;
	s4 =	sadd.s32 s4, s6;
	[dreg:$0x0] =	wrdreg $0x0  }
0xa9: {  	s6 =	sshll.u32 s28, $0x1;
	[dreg:$0x2] =	wrdreg s4  }
0xaa: {  	[dreg:$0x3] =	wrdreg s6  }
0xab: {  	[dreg:$0x4] =	wrdreg $0xC0  }
0xac: {  	_ =	task [dreg:s8], $0x5FFFF  }
0xad: {  	[dreg:$0x1] =	wrdreg $0xFFFFFFFF  }
0xae: {  	[dreg:$0x0] =	wrdreg $0x60  }
0xaf: {  	[dreg:$0x2] =	wrdreg s18  }
0xb0: {  	[dreg:$0x3] =	wrdreg s24  }
0xb1: {  	[dreg:$0x4] =	wrdreg s2  }
0xb2: {  	[dreg:$0x5] =	wrdreg $0x0  }
0xb3: {  	[dreg:$0x6] =	wrdreg $0x9  }
0xb4: {  	_ =	task.clear_ibuf [dreg:s8], $0x7FFFF;
	_ =	strace $0x90000046  }
0xb5: {  	s29 =	simm.s32 $0x9;
	_ =	strace $0x80000048  }
0xb6: {  	_ =	swait.ge [sflag:s29], $0x1  }
0xb7: {  	[sflag:s29] =	ssyncadd.s32 $0xFFFFFFFF  }
0xb8: {  	_ =	strace $0x90000048  }
0xb9: {  	_ =	sfence  }
0xba: {  	s30 =	sld [smem:$0x0];
	_ =	sdelay $0x2  }
0xbb: {  	s31 =	sshll.u32 s1, $0xD;
	s1 =	sshrl.u32 s1, $0x2  }
0xbc: {  	s3 =	sand.u32 $0x4000, s31;
	s1 =	sadd.s32 s1, s30  }
0xbd: {  	s0 =	sor.u32 s3, s0;
	s1 =	sshll.u32 s1, $0x11  }
0xbe: {  	s0 =	sor.u32 s1, s0  }
0xbf: {  	s0 =	sadd.s32 $0x8F2B, s0  }
0xc0: {  	[sflag:s0] =	ssyncadd.remote.s32 $0x1  }
0xc1: {  	_ =	sfence.sel $0xFFFF  }
0xc2: {  	[dreg:$0x0] =	wrdreg $0xFFFFFFFF;
	(pc) =	sbr.abs _section_cstart, $3  }
0xc3: {  	[dreg:$0x1] =	wrdreg $0xFFFFFFFF  }
0xc4: {  	_ =	task.clear_ibuf [dreg:s8], $0x2FFFF;
	_ =	strace $0x9FFFFFFF  }
0xc5: {  	(tm) =	ssettm $0x7FFFFFFF  }
tec
execute0_lowered:
.L_overlay_start_1:
0x0: {  	(tag) =	ssettag $0x1  }
0x1: {  	s1 =	rddreg [dreg:$0x0]  }
0x2: {  	s0 =	rddreg [dreg:$0x1]  }
0x3: {  	s2 =	rddreg [dreg:$0x2]  }
0x4: {  	s3 =	rddreg [dreg:$0x3];
	s5 =	simm.s32 $0x0;
	s4 =	srdreg.scid  }
0x5: {  	s11 =	stileid.u32;
	s21 =	simm.s32 $0x2;
	s22 =	simm.s32 $0x14000  }
0x6: {  	s23 =	simm.s32 $0x14080;
	s28 =	simm.s32 $0x1;
	s29 =	simm.s32 $0x0  }
0x7: {  	s30 =	simm.s32 $0x0;
	[smem:$0x7FF] =	sst s5;
	s9 =	smul.u32 $0x50000, s11  }
0x8: {  	s4 =	sand.u32 $0x1, s4;
	s6 =	sadd.s32 $0xA200, s0;
	s13 =	smul.u32 $0x14000, s11  }
0x9: {  	s7 =	sadd.s32 $0x400, s0;
	s0 =	sadd.s32 $0x14000, s0;
	_ =	strace $0x80000047  }
0xa: {  	s8 =	ssub.s32 $0x2, s4;
	s24 =	sshll.u32 s4, $0x4;
	s4 =	smul.u32 $0x140000, s4  }
0xb: {  	s10 =	sshrl.u32 s8, $0x1;
	s9 =	sshrl.u32 s9, $0x2;
	s15 =	sadd.s32 $0x4000, s13  }
0xc: {  	s16 =	sor.u32 s11, s24;
	s17 =	sadd.s32 $0x8000, s13;
	s18 =	sadd.s32 $0xC000, s13  }
0xd: {  	s19 =	sadd.s32 $0x10000, s13;
	s24 =	simm.s32 $0x14100;
	s14 =	ssub.s32 s8, s10  }
0xe: {  	s8 =	sadd.s32 s9, s3;
	s9 =	sadd.s32 s15, s3;
	s10 =	sadd.s32 s17, s3  }
0xf: {  	s11 =	sadd.s32 s18, s3;
	s12 =	sadd.s32 s19, s3;
	s20 =	sadd.s32 s13, s4  }
0x10: {  	s15 =	sadd.s32 s4, s15;
	s13 =	smul.u32 $0x2710, s16;
	s26 =	sadd.s32 s4, s17  }
0x11: {  	s31 =	sadd.s32 s4, s18;
	s4 =	sadd.s32 s4, s19;
	s25 =	sshrl.u32 s20, $0x3  }
0x12: {  	s15 =	sshrl.u32 s15, $0x3;
	s17 =	sshrl.u32 s31, $0x3;
	s4 =	sshrl.u32 s4, $0x3  }
0x13: {  	s19 =	smax.u32 s14, $0x1;
	s20 =	simm.s32 $0x16980;
	s16 =	sadd.s32 s0, s25  }
0x14: {  	s15 =	sadd.s32 s0, s15;
	s17 =	sadd.s32 s0, s17;
	s18 =	sadd.s32 s0, s4  }
0x15: {  	s25 =	simm.s32 $0x50;
	[dreg:$0x5] =	wrdreg s16;
	s16 =	sshrl.u32 s26, $0x3  }
0x16: {  	v0 =	vimm.f32 $0.0e+00;
	[dreg:$0x6] =	wrdreg s15;
	s26 =	simm.s32 $0x14180;
	s16 =	sadd.s32 s0, s16  }
.LBB2_1:
0x17: {  	s0 =	simm.s32 $0x0;
	s4 =	simm.s32 $0x200  }
.LBB2_2:
0x18: {  	p0 =	sne.s32 s4, $0xFE00;
	[tilespmem:s0+$0x169F0] =	vst v0  }
0x19: {  	[tilespmem:s0+$0x16980] =	vst v0  }
0x1a: {  	[tilespmem:s0+$0x16990] =	vst v0  }
.Ltmp0:
0x1b: {  	[tilespmem:s0+$0x169A0] =	vst v0;
	(pc) =	sbr.rel @p0 .LBB2_2-.Ltmp0, $4  }
0x1c: {  	[tilespmem:s0+$0x169B0] =	vst v0  }
0x1d: {  	[tilespmem:s0+$0x169C0] =	vst v0  }
0x1e: {  	[tilespmem:s0+$0x169D0] =	vst v0  }
0x1f: {  	[tilespmem:s0+$0x169E0] =	vst v0;
	s0 =	sshra.s32 s4, $0x2;
	s4 =	sadd.s32 $0x200, s4  }
0x20: {  	[tilespmem:s0+$0x169F0] =	vst v0  }
0x21: {  	[tilespmem:s0+$0x16980] =	vst v0  }
0x22: {  	[tilespmem:s0+$0x16990] =	vst v0  }
0x23: {  	[tilespmem:s0+$0x169A0] =	vst v0  }
0x24: {  	[tilespmem:s0+$0x169B0] =	vst v0  }
0x25: {  	[tilespmem:s0+$0x169C0] =	vst v0  }
0x26: {  	[tilespmem:s0+$0x169D0] =	vst v0  }
0x27: {  	[tilespmem:s0+$0x169E0] =	vst v0  }
0x28: {  	[spmem:s8] =	stream.linear.scatter [tilespmem:s20], [sflag:$0x2], $0x4000, $0x38;
	[tilespmem:$0x1A980] =	vst v63  }
0x29: {  	_ =	swait.ge [sflag:s21], $0x4000  }
0x2a: {  	[sflag:s21] =	ssyncset.done $0x0  }
0x2b: {  	[sflag:s21] =	ssyncadd.s32 $0xFFFFC000  }
0x2c: {  	[spmem:s9] =	stream.linear.scatter [tilespmem:s20], [sflag:$0x2], $0x4000, $0x38;
	[tilespmem:$0x1A980] =	vst v63  }
0x2d: {  	_ =	swait.ge [sflag:s21], $0x4000  }
0x2e: {  	[sflag:s21] =	ssyncset.done $0x0  }
0x2f: {  	[sflag:s21] =	ssyncadd.s32 $0xFFFFC000  }
0x30: {  	[spmem:s10] =	stream.linear.scatter [tilespmem:s20], [sflag:$0x2], $0x4000, $0x38;
	[tilespmem:$0x1A980] =	vst v63  }
0x31: {  	_ =	swait.ge [sflag:s21], $0x4000  }
0x32: {  	[sflag:s21] =	ssyncset.done $0x0  }
0x33: {  	[sflag:s21] =	ssyncadd.s32 $0xFFFFC000  }
0x34: {  	[spmem:s11] =	stream.linear.scatter [tilespmem:s20], [sflag:$0x2], $0x4000, $0x38;
	[tilespmem:$0x1A980] =	vst v63  }
0x35: {  	_ =	swait.ge [sflag:s21], $0x4000  }
0x36: {  	[sflag:s21] =	ssyncset.done $0x0  }
0x37: {  	[sflag:s21] =	ssyncadd.s32 $0xFFFFC000  }
0x38: {  	[spmem:s12] =	stream.linear.scatter [tilespmem:s20], [sflag:$0x2], $0x4000, $0x38;
	[tilespmem:$0x1A980] =	vst v63  }
0x39: {  	_ =	swait.ge [sflag:s21], $0x4000  }
0x3a: {  	[sflag:s21] =	ssyncset.done $0x0  }
0x3b: {  	[sflag:s21] =	ssyncadd.s32 $0xFFFFC000  }
0x3c: {  	s31 =	simm.s32 $0x0;
	[bflag:$0x0] =	sbarrier.arrive $0xFFFF  }
.LBB2_4:
0x3d: {  	s0 =	smul.u32 $0x50, s31;
	_ =	sdelay $0x1  }
0x3e: {  	s0 =	sadd.s32 s13, s0  }
0x3f: {  	s0 =	sshrl.u32 s0, $0x3  }
0x40: {  	s4 =	sadd.s32 s6, s0  }
0x41: {  	[tilespmem:s22], [sflag:$0x2] =	stream.linear.gather [hbm4b:s4+s30], $0x50, $0x38;
	[tilespmem:$0x1A980] =	vst v63  }
0x42: {  	_ =	swait.ge [sflag:s21], $0x50  }
0x43: {  	[sflag:s21] =	ssyncset.done $0x0  }
0x44: {  	s15 =	sadd.s32 s7, s0;
	[sflag:s21] =	ssyncadd.s32 $0xFFFFFFB0  }
0x45: {  	[tilespmem:s23], [sflag:$0x2] =	stream.linear.gather [hbm4b:s15+s30], $0x50, $0x38;
	[tilespmem:$0x1A980] =	vst v63  }
0x46: {  	_ =	swait.ge [sflag:s21], $0x50  }
0x47: {  	[sflag:s21] =	ssyncset.done $0x0  }
0x48: {  	s0 =	sadd.s32 s2, s0;
	[sflag:s21] =	ssyncadd.s32 $0xFFFFFFB0  }
0x49: {  	[tilespmem:s24], [sflag:$0x2] =	stream.linear.gather [hbm4b:s0+s30], $0x50, $0x38;
	[tilespmem:$0x1A980] =	vst v63  }
0x4a: {  	_ =	swait.ge [sflag:s21], $0x50  }
0x4b: {  	[sflag:s21] =	ssyncset.done $0x0  }
0x4c: {  	[sflag:s21] =	ssyncadd.s32 $0xFFFFFFB0  }
0x4d: {  	[tilespmem:s26], [sflag:$0x1] =	stream.indirect.gather [hbm4b:s1+s25], $0x80, s22, s25, $0xb8;
	[tilespmem:$0x1A980] =	vst v63  }
0x4e: {  	_ =	swait.ge [sflag:s28], $0x2800  }
0x4f: {  	v1 =	vmov s30;
	[sflag:s28] =	ssyncset.done $0x0  }
0x50: {  	s0 =	simm.s32 $0x141C0;
	[sflag:s28] =	ssyncadd.s32 $0xFFFFD800  }
0x51: {  	v5 =	vld [tilespmem:s0+$0x30]  }
0x52: {  	v8 =	vld [tilespmem:s0+$0x10]  }
0x53: {  	v6 =	vld [tilespmem:s0+$0xFFFFFFC0]  }
0x54: {  	v2 =	vld.idx.msk [tilespmem:v1+s24+$0x0], $0xffff  }
0x55: {  	v10 =	vld [tilespmem:s0+$0xFFFFFFE0]  }
0x56: {  	v1 =	vld [tilespmem:s0+$0xFFFFFFF0]  }
0x57: {  	v3 =	vld [tilespmem:s0+$0x20]  }
0x58: {  	v4 =	vld [tilespmem:s0+$0xFFFFFFD0]  }
0x59: {  	v9 =	vmul.f32 v5, v2;
	v5 =	vld [tilespmem:s0+$0x0]  }
0x5a: {  	v7 =	vmul.f32 v6, v2  }
0x5b: {  	s14 =	simm.s32 $0x141C0;
	s4 =	simm.s32 $0x1;
	v6 =	vmul.f32 v10, v2;
	v8 =	vmul.f32 v8, v2  }
.LBB2_5:
0x5c: {  	p0 =	sne.s32 s4, $0x4F  }
0x5d: {  	v4 =	vmul.f32 v4, v2;
	v3 =	vmul.f32 v3, v2;
	[tilespmem:s0+$0x30] =	vst v9;
	s14 =	sadd.s32 $0x80, s14;
	s15 =	smov.u32 s4;
	s4 =	sadd.s32 $0x1, s4  }
0x5e: {  	[tilespmem:s0+$0xFFFFFFC0] =	vst v7;
	v7 =	vmul.f32 v1, v2;
	v2 =	vmul.f32 v5, v2  }
0x5f: {  	[tilespmem:s0+$0x10] =	vst v8  }
0x60: {  	v5 =	vmov s15;
	[tilespmem:s0+$0xFFFFFFE0] =	vst v6  }
0x61: {  	v1 =	vld [tilespmem:s14+$0xFFFFFFF0];
	[tilespmem:s0+$0xFFFFFFF0] =	vst v7  }
0x62: {  	v6 =	vld [tilespmem:s14+$0x30];
	[tilespmem:s0+$0x0] =	vst v2  }
0x63: {  	v8 =	vld [tilespmem:s14+$0x10];
	[tilespmem:s0+$0x20] =	vst v3  }
0x64: {  	v7 =	vld [tilespmem:s14+$0xFFFFFFC0];
	[tilespmem:s0+$0xFFFFFFD0] =	vst v4;
	s0 =	smov.u32 s14  }
0x65: {  	v2 =	vld.idx.msk [tilespmem:v5+s24+$0x0], $0xffff  }
0x66: {  	v10 =	vld [tilespmem:s14+$0xFFFFFFE0]  }
0x67: {  	v3 =	vld [tilespmem:s14+$0x20]  }
.Ltmp1:
0x68: {  	v4 =	vld [tilespmem:s14+$0xFFFFFFD0];
	(pc) =	sbr.rel @p0 .LBB2_5-.Ltmp1, $3  }
0x69: {  	v5 =	vld [tilespmem:s14+$0x0];
	_ =	sdelay $0x1  }
0x6a: {  	v7 =	vmul.f32 v7, v2;
	v9 =	vmul.f32 v6, v2  }
0x6b: {  	v8 =	vmul.f32 v8, v2;
	v6 =	vmul.f32 v10, v2  }
0x6c: {  	[tilespmem:s0+$0x30] =	vst v9  }
0x6d: {  	[tilespmem:s0+$0xFFFFFFC0] =	vst v7  }
0x6e: {  	v1 =	vmul.f32 v1, v2;
	[tilespmem:s0+$0x10] =	vst v8  }
0x6f: {  	v3 =	vmul.f32 v3, v2;
	[tilespmem:s0+$0xFFFFFFE0] =	vst v6  }
0x70: {  	v5 =	vmul.f32 v5, v2;
	[tilespmem:s0+$0xFFFFFFF0] =	vst v1  }
0x71: {  	s31 =	sadd.s32 $0x1, s31;
	v1 =	vmul.f32 v4, v2;
	[tilespmem:s0+$0x20] =	vst v3  }
0x72: {  	p0 =	sne.s32 s31, $0x7D;
	[tilespmem:s0+$0x0] =	vst v5  }
.Ltmp2:
0x73: {  	[tilespmem:s0+$0xFFFFFFD0] =	vst v1;
	(pc) =	sbr.rel @p0 .LBB2_4-.Ltmp2, $4  }
0x74: {  	[spmem:s3] =	stream.indirect.scatter.add.f32 [tilespmem:s26], [sflag:$0x2], $0x80, s23, s25, $0xb8;
	[tilespmem:$0x1A980] =	vst v63  }
0x75: {  	_ =	swait.ge [sflag:s21], $0x2800  }
0x76: {  	[sflag:s21] =	ssyncset.done $0x0  }
0x77: {  	[sflag:s21] =	ssyncadd.s32 $0xFFFFD800  }
0x78: {  	[bflag:$0x0] =	sbarrier.arrive $0xFFFF  }
0x79: {  	[tilespmem:s20], [sflag:$0x2] =	stream.linear.gather [spmem:s8], $0x4000, $0x38;
	[tilespmem:$0x1A980] =	vst v63  }
0x7a: {  	_ =	swait.ge [sflag:s21], $0x4000  }
0x7b: {  	[sflag:s21] =	ssyncset.done $0x0  }
0x7c: {  	s0 =	rddreg [dreg:$0x5];
	[sflag:s21] =	ssyncadd.s32 $0xFFFFC000  }
0x7d: {  	[hbm4b:s0+s5] =	stream.linear.scatter [tilespmem:s20], [sflag:$0x2], $0x4000, $0x38;
	[tilespmem:$0x1A980] =	vst v63  }
0x7e: {  	_ =	swait.ge [sflag:s21], $0x4000  }
0x7f: {  	[sflag:s21] =	ssyncset.done $0x0  }
0x80: {  	[sflag:s21] =	ssyncadd.s32 $0xFFFFC000  }
0x81: {  	[tilespmem:s20], [sflag:$0x2] =	stream.linear.gather [spmem:s9], $0x4000, $0x38;
	[tilespmem:$0x1A980] =	vst v63  }
0x82: {  	_ =	swait.ge [sflag:s21], $0x4000  }
0x83: {  	[sflag:s21] =	ssyncset.done $0x0  }
0x84: {  	s31 =	rddreg [dreg:$0x6];
	[sflag:s21] =	ssyncadd.s32 $0xFFFFC000  }
0x85: {  	[hbm4b:s31+s5] =	stream.linear.scatter [tilespmem:s20], [sflag:$0x2], $0x4000, $0x38;
	[tilespmem:$0x1A980] =	vst v63  }
0x86: {  	_ =	swait.ge [sflag:s21], $0x4000  }
0x87: {  	[sflag:s21] =	ssyncset.done $0x0  }
0x88: {  	[sflag:s21] =	ssyncadd.s32 $0xFFFFC000  }
0x89: {  	[tilespmem:s20], [sflag:$0x2] =	stream.linear.gather [spmem:s10], $0x4000, $0x38;
	[tilespmem:$0x1A980] =	vst v63  }
0x8a: {  	_ =	swait.ge [sflag:s21], $0x4000  }
0x8b: {  	[sflag:s21] =	ssyncset.done $0x0  }
0x8c: {  	[sflag:s21] =	ssyncadd.s32 $0xFFFFC000  }
0x8d: {  	[hbm4b:s16+s5] =	stream.linear.scatter [tilespmem:s20], [sflag:$0x2], $0x4000, $0x38;
	[tilespmem:$0x1A980] =	vst v63  }
0x8e: {  	_ =	swait.ge [sflag:s21], $0x4000  }
0x8f: {  	[sflag:s21] =	ssyncset.done $0x0  }
0x90: {  	[sflag:s21] =	ssyncadd.s32 $0xFFFFC000  }
0x91: {  	[tilespmem:s20], [sflag:$0x2] =	stream.linear.gather [spmem:s11], $0x4000, $0x38;
	[tilespmem:$0x1A980] =	vst v63  }
0x92: {  	_ =	swait.ge [sflag:s21], $0x4000  }
0x93: {  	[sflag:s21] =	ssyncset.done $0x0  }
0x94: {  	[sflag:s21] =	ssyncadd.s32 $0xFFFFC000  }
0x95: {  	[hbm4b:s17+s5] =	stream.linear.scatter [tilespmem:s20], [sflag:$0x2], $0x4000, $0x38;
	[tilespmem:$0x1A980] =	vst v63  }
0x96: {  	_ =	swait.ge [sflag:s21], $0x4000  }
0x97: {  	[sflag:s21] =	ssyncset.done $0x0  }
0x98: {  	[sflag:s21] =	ssyncadd.s32 $0xFFFFC000  }
0x99: {  	[tilespmem:s20], [sflag:$0x2] =	stream.linear.gather [spmem:s12], $0x4000, $0x38;
	[tilespmem:$0x1A980] =	vst v63  }
0x9a: {  	s29 =	sadd.s32 $0x1, s29;
	_ =	swait.ge [sflag:s21], $0x4000  }
0x9b: {  	p0 =	sne.s32 s29, s19;
	[sflag:s21] =	ssyncset.done $0x0  }
.Ltmp3:
0x9c: {  	[sflag:s21] =	ssyncadd.s32 $0xFFFFC000;
	(pc) =	sbr.rel @p0 .LBB2_1-.Ltmp3, $4  }
0x9d: {  	[hbm4b:s18+s5] =	stream.linear.scatter [tilespmem:s20], [sflag:$0x2], $0x4000, $0x38;
	[tilespmem:$0x1A980] =	vst v63  }
0x9e: {  	_ =	swait.ge [sflag:s21], $0x4000  }
0x9f: {  	[sflag:s21] =	ssyncset.done $0x0  }
0xa0: {  	[sflag:s21] =	ssyncadd.s32 $0xFFFFC000  }
0xa1: {  	_ =	sfence.sel $0x180000  }
0xa2: {  	[bflag:$0x0] =	sbarrier.arrive $0xFFFF  }
0xa3: {  	_ =	strace $0x90000047  }
0xa4: {  	s0 =	stileid.u32;
	[bflag:$0x2] =	sbarrier.arrive $0xFFFF  }
0xa5: {  	p0 =	sne.s32 s0, $0x0;
	s0 =	rddreg [dreg:$0x4]  }
0xa6: {  	s0 =	sadd.s32 @!p0 $0x100000, s0  }
0xa7: {  	[sflag:s0] =	ssyncadd.tile.s32 @!p0 $0x1;
	_ =	shalt  }
.Lfunc_end2:
_tile_overlayer_lowered:
.L_overlay_start_2:
0xa8: {  	(tag) =	ssettag $0x2  }
0xa9: {  	s0 =	rddreg [dreg:$0x0];
	s2 =	stileid.u32  }
0xaa: {  	s1 =	rddreg [dreg:$0x1];
	p0 =	sne.s32 s2, $0x0  }
0xab: {  	s3 =	rddreg [dreg:$0x2];
	[bflag:$0x3] =	sbarrier.arrive $0xFFFF;
	s2 =	simm.s32 @!p0 $0x1C02  }
0xac: {  	[timem:s3], [sflag:s2] =	dma.local @!p0 [hbm:s0], s1  }
0xad: {  	s0 =	simm.s32 @!p0 $0x2  }
0xae: {  	_ =	swait.ge @!p0 [sflag:s0], s1  }
0xaf: {  	s1 =	ssub.s32 @!p0 $0x0, s1;
	[sflag:s0] =	ssyncset.done @!p0 $0x0  }
0xb0: {  	[sflag:s0] =	ssyncadd.s32 @!p0 s1  }
0xb1: {  	[bflag:$0x3] =	sbarrier.arrive $0xFFFF  }
0xb2: {  	_ =	shalt  }

</sc_bundles>
